<compile_context>
chip_gen: v7x
topology: tpu7x:2x2x1
jax: 0.10.2.dev20260603
libtpu: 0.0.44.dev20260713+nightly
codegen_flags: <defaults>
</compile_context>

<pallas_src>
import functools

import jax
import jax.numpy as jnp
from jax import lax
from jax.experimental import pallas as pl
from jax.experimental.pallas import tpu as pltpu
from jax.experimental.pallas import tpu_sc as plsc

NATTRS = 115
NOBJS = 245
NOBJ_PAD = 256
ATTR_BLK = 5
N_ABLK = NATTRS // ATTR_BLK
N_NODES = NATTRS + NOBJS
N_EDGES = 60000
FLAT = N_NODES * N_NODES

P_TILES = 12
EPT = 5120
NE_PAD = P_TILES * EPT
CH = 640
NCH = EPT // CH
GRP = CH // 16

_EPS = 1e-5


def _vgather16(x, idx):
    dn = lax.GatherDimensionNumbers(
        offset_dims=(), collapsed_slice_dims=(0,), start_index_map=(0,))
    return lax.gather(x, idx[:, None], dn, slice_sizes=(1,),
                      mode=lax.GatherScatterMode.PROMISE_IN_BOUNDS)


def _adj_body(edges_hbm, zeros_hbm, out_hbm, ev, acc):
    c = lax.axis_index("c")
    s = lax.axis_index("s")
    wid = s * 2 + c

    @pl.when(wid < P_TILES)
    def _():
        pltpu.sync_copy(zeros_hbm, acc)
        lane = lax.iota(jnp.int32, 16)

        def chunk(ch, carry):
            ebase = wid * EPT + ch * CH
            pltpu.sync_copy(edges_hbm.at[:, pl.ds(ebase, CH)], ev)

            def grp(g, carry2):
                off = g * 16
                src = ev[0, pl.ds(off, 16)]
                dst = ev[1, pl.ds(off, 16)]
                flat = dst * N_NODES + src
                val = jnp.where(ebase + off + lane < N_EDGES, 1.0, 0.0)
                skey, sval = plsc.sort_key_val(flat, val)
                csum = plsc.cumsum(sval)
                nxt = _vgather16(skey, jnp.minimum(lane + 1, 15))
                is_last = (skey != nxt) | (lane == 15)
                bounded = jnp.where(is_last, csum, 0.0)
                bmax = plsc.cummax(bounded)
                prev = jnp.where(lane == 0, 0.0,
                                 _vgather16(bmax, jnp.maximum(lane - 1, 0)))
                run = csum - prev
                plsc.addupdate_scatter(acc, [skey], run, mask=is_last)
                return carry2

            lax.fori_loop(0, GRP, grp, 0)
            return carry

        lax.fori_loop(0, NCH, chunk, 0)
        pltpu.sync_copy(acc, out_hbm.at[wid])


@functools.cache
def _adj_kernel_fn():
    return pl.kernel(
        _adj_body,
        out_type=jax.ShapeDtypeStruct((P_TILES, FLAT), jnp.float32),
        mesh=plsc.VectorSubcoreMesh(core_axis_name="c", subcore_axis_name="s"),
        scratch_types=[
            pltpu.VMEM((2, CH), jnp.int32),
            pltpu.VMEM((FLAT,), jnp.float32),
        ],
        compiler_params=pltpu.CompilerParams(needs_layout_passes=False),
    )


def _ln(x, g, b):
    mu = jnp.mean(x, axis=-1, keepdims=True)
    xc = x - mu
    var = jnp.mean(xc * xc, axis=-1, keepdims=True)
    return xc * lax.rsqrt(var + _EPS) * g + b


def _fused_body(pref, nodes_ref, wg1l_ref, bg1_ref, wg1r_ref,
                wg2l_ref, bg2_ref, wg2r_ref,
                wp1a_ref, wp1b_ref,
                ximg_ref, wi1_ref, bi1_ref, gi1_ref, bei1_ref,
                wi2_ref, bi2_ref, gi2_ref, bei2_ref,
                wi3_ref, bi3_ref, gio_ref, beio_ref,
                bp1_ref, gp1_ref, bep1_ref,
                wp2_ref, bp2_ref, gpo_ref, bepo_ref,
                out_ref, ctop_s, b1_s, femb_s):
    f32 = jnp.float32
    bf16 = jnp.bfloat16
    cdims = (((1,), (1,)), ((), ()))
    i = pl.program_id(0)

    @pl.when(i == 0)
    def _prep():
        A = jnp.sum(pref[...], axis=0)
        deg = jnp.sum(A, axis=1, keepdims=True)
        An = A / jnp.maximum(deg, 1.0)
        nodes = nodes_ref[...]
        P1 = jnp.dot(An, nodes, preferred_element_type=f32)
        h = jnp.dot(P1, wg1l_ref[...], preferred_element_type=f32)
        h = h + bg1_ref[...]
        h = h + jnp.dot(nodes, wg1r_ref[...], preferred_element_type=f32)
        h = jnp.maximum(h, 0.0)
        Q = jnp.dot(An, h, preferred_element_type=f32)
        emb = jnp.dot(Q, wg2l_ref[...], preferred_element_type=f32)
        emb = emb + bg2_ref[...]
        emb = emb + jnp.dot(h, wg2r_ref[...], preferred_element_type=f32)
        ctop = jnp.dot(emb[:NATTRS], wp1a_ref[...], preferred_element_type=f32)
        cbot = jnp.dot(emb[NATTRS:], wp1b_ref[...], preferred_element_type=f32)
        for blk in range(N_ABLK):
            ctop_s[blk, pl.ds(0, ATTR_BLK), :] = (
                ctop[blk * ATTR_BLK:(blk + 1) * ATTR_BLK])
        b1_s[...] = jnp.concatenate(
            [cbot + bp1_ref[...], jnp.zeros((NOBJ_PAD - NOBJS, 1000), f32)],
            axis=0)
        f = jnp.dot(ximg_ref[...], wi1_ref[...], preferred_element_type=f32)
        f = jnp.maximum(_ln(f + bi1_ref[...], gi1_ref[...], bei1_ref[...]),
                        0.0)
        f = jnp.dot(f, wi2_ref[...], preferred_element_type=f32)
        f = jnp.maximum(_ln(f + bi2_ref[...], gi2_ref[...], bei2_ref[...]),
                        0.0)
        f = jnp.dot(f, wi3_ref[...], preferred_element_type=f32)
        femb_s[...] = _ln(f + bi3_ref[...], gio_ref[...], beio_ref[...])

    @pl.when(i > 0)
    def _pairs():
        j = i - 1
        b1 = b1_s[...]
        a_blk = ctop_s[j, pl.ds(0, ATTR_BLK), :]
        z = jnp.concatenate(
            [b1 + a_blk[k:k + 1, :] for k in range(ATTR_BLK)], axis=0)
        q = jnp.maximum(_ln(z, gp1_ref[...], bep1_ref[...]), 0.0).astype(bf16)
        y = jnp.dot(q, wp2_ref[...].astype(bf16),
                    preferred_element_type=f32) + bp2_ref[...]
        p = _ln(y, gpo_ref[...], bepo_ref[...])
        out_ref[...] = lax.dot_general(
            femb_s[...].astype(bf16), p.astype(bf16), cdims,
            preferred_element_type=f32)


def kernel(x_img, nodes, edge_index, W_g1l, b_g1, W_g1r, W_g2l, b_g2, W_g2r,
           Wi1, bi1, gi1, bei1, Wi2, bi2, gi2, bei2, Wi3, bi3, gio, beio,
           Wp1, bp1, gp1, bep1, Wp2, bp2, gpo, bepo):
    f32 = jnp.float32
    r1 = lambda v: v.reshape(1, -1)

    epad = jnp.pad(edge_index, ((0, 0), (0, NE_PAD - N_EDGES)))
    partials = _adj_kernel_fn()(epad, jnp.zeros((FLAT,), f32))
    partials = partials.reshape(P_TILES, N_NODES, N_NODES)

    cspec = lambda shape: pl.BlockSpec(shape, lambda i: tuple(0 for _ in shape))
    grid = (1 + N_ABLK,)
    out = pl.pallas_call(
        _fused_body,
        grid=grid,
        in_specs=[
            cspec((P_TILES, N_NODES, N_NODES)),
            cspec((N_NODES, 512)),
            cspec((512, 2048)), cspec((1, 2048)), cspec((512, 2048)),
            cspec((2048, 800)), cspec((1, 800)), cspec((2048, 800)),
            cspec((800, 1000)), cspec((800, 1000)),
            cspec((128, 512)),
            cspec((512, 800)), cspec((1, 800)), cspec((1, 800)),
            cspec((1, 800)),
            cspec((800, 1000)), cspec((1, 1000)), cspec((1, 1000)),
            cspec((1, 1000)),
            cspec((1000, 800)), cspec((1, 800)), cspec((1, 800)),
            cspec((1, 800)),
            cspec((1, 1000)), cspec((1, 1000)), cspec((1, 1000)),
            cspec((1000, 800)), cspec((1, 800)), cspec((1, 800)),
            cspec((1, 800)),
        ],
        out_specs=pl.BlockSpec((128, ATTR_BLK * NOBJ_PAD),
                               lambda i: (0, jnp.maximum(i - 1, 0))),
        out_shape=jax.ShapeDtypeStruct((128, NATTRS * NOBJ_PAD), f32),
        scratch_shapes=[
            pltpu.VMEM((N_ABLK, 8, 1000), f32),
            pltpu.VMEM((NOBJ_PAD, 1000), f32),
            pltpu.VMEM((128, 800), f32),
        ],
        compiler_params=pltpu.CompilerParams(
            vmem_limit_bytes=100 * 1024 * 1024),
    )(partials, nodes,
      W_g1l, r1(b_g1), W_g1r, W_g2l, r1(b_g2), W_g2r,
      Wp1[:800], Wp1[800:],
      x_img, Wi1, r1(bi1), r1(gi1), r1(bei1),
      Wi2, r1(bi2), r1(gi2), r1(bei2),
      Wi3, r1(bi3), r1(gio), r1(beio),
      r1(bp1), r1(gp1), r1(bep1),
      Wp2, r1(bp2), r1(gpo), r1(bepo))
    out = out.reshape(128, NATTRS, NOBJ_PAD)[:, :, :NOBJS]
    return out.reshape(128, NATTRS * NOBJS)

# --- scband reference (transcript-rebuilt; emitter-appended) ---
"""Pipeline reference for scband-graph-mlp-1108101562623 (READ-ONLY COPY).

The authoritative reference and input builder live on the scoring server;
editing this copy changes nothing except your own understanding.
"""

import jax, jax.numpy as jnp
import numpy as np

NATTRS = 115
NOBJS = 245
N_NODES = NATTRS + NOBJS
D_FEAT = 512
D_HID = 2048
NODE_DIM = 800
IMG_DIM = 512
BATCH = 128
N_EDGES = 60000


def layer_norm(x, g, b, eps=1e-5):
    mu = jnp.mean(x, axis=-1, keepdims=True)
    var = jnp.mean((x - mu) ** 2, axis=-1, keepdims=True)
    return (x - mu) / jnp.sqrt(var + eps) * g + b


def sage_conv(x, edge_index, W_l, b_l, W_r):
    # PyG SAGEConv with mean aggregation: lin_l(mean_agg) + lin_r(x)
    src = edge_index[0]
    dst = edge_index[1]
    msg = jnp.take(x, src, axis=0)
    agg = jax.ops.segment_sum(msg, dst, num_segments=x.shape[0])
    deg = jax.ops.segment_sum(jnp.ones((edge_index.shape[1],), x.dtype), dst, num_segments=x.shape[0])
    agg = agg / jnp.clip(deg, 1.0, None)[:, None]
    return agg @ W_l + b_l + x @ W_r


def setup_inputs(seed: int = 0):
    key = jax.random.key(seed)
    ks = jax.random.split(key, 40)

    def w(i, shape):
        fan_in = shape[0]
        return jax.random.normal(ks[i], shape, jnp.float32) * (1.0 / np.sqrt(fan_in))

    inp = {}
    inp['x_img'] = jax.random.normal(ks[0], (BATCH, IMG_DIM), jnp.float32)
    inp['nodes'] = jax.random.normal(ks[1], (N_NODES, D_FEAT), jnp.float32)
    inp['edge_index'] = jax.random.randint(ks[2], (2, N_EDGES), 0, N_NODES, jnp.int32)
    # GCN (SAGEConv x2)
    inp['W_g1l'] = w(3, (D_FEAT, D_HID)); inp['b_g1'] = jnp.zeros((D_HID,), jnp.float32); inp['W_g1r'] = w(4, (D_FEAT, D_HID))
    inp['W_g2l'] = w(5, (D_HID, NODE_DIM)); inp['b_g2'] = jnp.zeros((NODE_DIM,), jnp.float32); inp['W_g2r'] = w(6, (D_HID, NODE_DIM))
    # img_fc: 512 -> 800 -> 1000 -> 800 (norm_output)
    inp['Wi1'] = w(7, (IMG_DIM, 800)); inp['bi1'] = jnp.zeros((800,), jnp.float32); inp['gi1'] = jnp.ones((800,), jnp.float32); inp['bei1'] = jnp.zeros((800,), jnp.float32)
    inp['Wi2'] = w(8, (800, 1000)); inp['bi2'] = jnp.zeros((1000,), jnp.float32); inp['gi2'] = jnp.ones((1000,), jnp.float32); inp['bei2'] = jnp.zeros((1000,), jnp.float32)
    inp['Wi3'] = w(9, (1000, 800)); inp['bi3'] = jnp.zeros((800,), jnp.float32); inp['gio'] = jnp.ones((800,), jnp.float32); inp['beio'] = jnp.zeros((800,), jnp.float32)
    # pair_fc: 1600 -> 1000 -> 800 (norm_output)
    inp['Wp1'] = w(10, (2 * NODE_DIM, 1000)); inp['bp1'] = jnp.zeros((1000,), jnp.float32); inp['gp1'] = jnp.ones((1000,), jnp.float32); inp['bep1'] = jnp.zeros((1000,), jnp.float32)
    inp['Wp2'] = w(11, (1000, 800)); inp['bp2'] = jnp.zeros((800,), jnp.float32); inp['gpo'] = jnp.ones((800,), jnp.float32); inp['bepo'] = jnp.zeros((800,), jnp.float32)
    return inp


def reference(x_img, nodes, edge_index, W_g1l, b_g1, W_g1r, W_g2l, b_g2, W_g2r,
              Wi1, bi1, gi1, bei1, Wi2, bi2, gi2, bei2, Wi3, bi3, gio, beio,
              Wp1, bp1, gp1, bep1, Wp2, bp2, gpo, bepo):
    # GraphEncoder: SAGEConv -> ReLU -> Dropout(eval=id) -> SAGEConv
    h = sage_conv(nodes, edge_index, W_g1l, b_g1, W_g1r)
    h = jax.nn.relu(h)
    node_emb = sage_conv(h, edge_index, W_g2l, b_g2, W_g2r)
    # get_all_pairs
    attr_nodes = node_emb[:NATTRS]
    obj_nodes = node_emb[NATTRS:]
    pair_attrs = jnp.repeat(attr_nodes, NOBJS, axis=0)  # repeat(1,nobjs).view(-1,d)
    pair_objs = jnp.tile(obj_nodes, (NATTRS, 1))        # repeat(nattrs,1)
    all_pair_nodes = jnp.concatenate([pair_attrs, pair_objs], axis=1)
    # pair_fc (ParametricMLP, norm_output=True)
    p = jax.nn.relu(layer_norm(all_pair_nodes @ Wp1 + bp1, gp1, bep1))
    p = layer_norm(p @ Wp2 + bp2, gpo, bepo)
    # img_fc (ParametricMLP, norm_output=True)
    f = jax.nn.relu(layer_norm(x_img @ Wi1 + bi1, gi1, bei1))
    f = jax.nn.relu(layer_norm(f @ Wi2 + bi2, gi2, bei2))
    f = layer_norm(f @ Wi3 + bi3, gio, beio)
    pair_pred = f @ p.T
    return pair_pred

if __name__ == "__main__":
    import jax
    _d = setup_inputs()
    print(jax.jit(kernel)(*tuple(_d.values())))

</pallas_src>

<mosaic_0001>
#map = affine_map<(d0, d1) -> (0, 0)>
#map1 = affine_map<(d0, d1) -> (0)>
module attributes {stable_mosaic.version = 14 : i64} {
  func.func @_adj_body(%arg0: i32, %arg1: i32, %arg2: memref<2x61440xi32, #tpu.memory_space<hbm>>, %arg3: memref<129600xf32, #tpu.memory_space<hbm>>, %arg4: memref<12x129600xf32, #tpu.memory_space<hbm>>, %arg5: memref<2x640xi32, #tpu.memory_space<vmem>>, %arg6: memref<129600xf32, #tpu.memory_space<vmem>>) attributes {dimension_semantics = [#tpu.dimension_semantics<core_parallel>, #tpu.dimension_semantics<subcore_parallel>], iteration_bounds = array<i64: 2, 16>, scalar_prefetch = 0 : i64, scratch_operands = 2 : i64, tpu.core_type = #tpu.core_type<sc_vector_subcore>, window_params = [{transform_indices = #map}, {transform_indices = #map1}, {transform_indices = #map}]} {
    %mul3A = arith.constant 2 : i32
    %mul3A_0 = arith.muli %arg1, %mul3A : i32
    %add3A = arith.addi %mul3A_0, %arg0 : i32
    %lt3A = arith.constant 12 : i32
    %lt3A_1 = arith.cmpi slt, %add3A, %lt3A : i32
    %convert_element_type3A = arith.extui %lt3A_1 : i1 to i32
    %cond3A = arith.constant 0 : i32
    %cond3A_2 = arith.cmpi ne, %convert_element_type3A, %cond3A : i32
    scf.if %cond3A_2 {
      "tpu.region"() ({
        %run_scoped3A = tpu.sem_alloc : memref<!tpu.dma_semaphore, #tpu.memory_space<semaphore_mem>>
        tpu.enqueue_dma source(%arg3 : memref<129600xf32, #tpu.memory_space<hbm>>) target(%arg6 : memref<129600xf32, #tpu.memory_space<vmem>>) target_semaphore(%run_scoped3A : memref<!tpu.dma_semaphore, #tpu.memory_space<semaphore_mem>>)
        tpu.wait_dma2 semaphore(%run_scoped3A : memref<!tpu.dma_semaphore, #tpu.memory_space<semaphore_mem>>) src(%arg3 : memref<129600xf32, #tpu.memory_space<hbm>>) dst(%arg6 : memref<129600xf32, #tpu.memory_space<vmem>>)
        tpu.yield
      }) : () -> ()
      %iota3A = tpu.iota {dimensions = array<i32: 0>} : vector<16xi32>
      %scan3A = arith.constant 0 : i32
      %scan3A_3 = arith.constant 0 : i32
      %scan3A_4 = arith.constant 8 : i32
      %scan3A_5 = arith.addi %scan3A_3, %scan3A_4 : i32
      %scan3A_6 = arith.constant 1 : i32
      scf.for %scan3A_8 = %scan3A_3 to %scan3A_5 step %scan3A_6  : i32 {
        %mul3A_9 = arith.constant 5120 : i32
        %mul3A_10 = arith.muli %add3A, %mul3A_9 : i32
        %mul3A_11 = arith.constant 640 : i32
        %mul3A_12 = arith.muli %scan3A_8, %mul3A_11 : i32
        %add3A_13 = arith.addi %mul3A_10, %mul3A_12 : i32
        "tpu.region"() ({
          %run_scoped3A = tpu.sem_alloc : memref<!tpu.dma_semaphore, #tpu.memory_space<semaphore_mem>>
          %dma_start3A = arith.constant 0 : i32
          %dma_start3A_20 = tpu.memref_slice %arg2[%dma_start3A, %add3A_13] : memref<2x61440xi32, #tpu.memory_space<hbm>> -> memref<2x640xi32, #tpu.memory_space<hbm>>
          %dma_start3A_21 = arith.constant 0 : i32
          %dma_start3A_22 = tpu.memref_slice %arg2[%dma_start3A_21, %add3A_13] : memref<2x61440xi32, #tpu.memory_space<hbm>> -> memref<2x640xi32, #tpu.memory_space<hbm>>
          tpu.enqueue_dma source(%dma_start3A_22 : memref<2x640xi32, #tpu.memory_space<hbm>>) target(%arg5 : memref<2x640xi32, #tpu.memory_space<vmem>>) target_semaphore(%run_scoped3A : memref<!tpu.dma_semaphore, #tpu.memory_space<semaphore_mem>>)
          %dma_wait3A = arith.constant 0 : i32
          %dma_wait3A_23 = tpu.memref_slice %arg2[%dma_wait3A, %add3A_13] : memref<2x61440xi32, #tpu.memory_space<hbm>> -> memref<2x640xi32, #tpu.memory_space<hbm>>
          %dma_wait3A_24 = arith.constant 0 : i32
          %dma_wait3A_25 = tpu.memref_slice %arg2[%dma_wait3A_24, %add3A_13] : memref<2x61440xi32, #tpu.memory_space<hbm>> -> memref<2x640xi32, #tpu.memory_space<hbm>>
          tpu.wait_dma2 semaphore(%run_scoped3A : memref<!tpu.dma_semaphore, #tpu.memory_space<semaphore_mem>>) src(%dma_wait3A_25 : memref<2x640xi32, #tpu.memory_space<hbm>>) dst(%arg5 : memref<2x640xi32, #tpu.memory_space<vmem>>)
          tpu.yield
        }) : () -> ()
        %scan3A_14 = arith.constant 0 : i32
        %scan3A_15 = arith.constant 0 : i32
        %scan3A_16 = arith.constant 40 : i32
        %scan3A_17 = arith.addi %scan3A_15, %scan3A_16 : i32
        %scan3A_18 = arith.constant 1 : i32
        scf.for %scan3A_20 = %scan3A_15 to %scan3A_17 step %scan3A_18  : i32 {
          %mul3A_21 = arith.constant 16 : i32
          %mul3A_22 = arith.muli %scan3A_20, %mul3A_21 : i32
          %get3A = arith.constant 0 : i32
          %get3A_23 = arith.index_cast %get3A : i32 to index
          %get3A_24 = arith.index_cast %mul3A_22 : i32 to index
          %get3A_25 = tpu.vector_load %arg5[%get3A_23, %get3A_24] {strides = array<i32>} : memref<2x640xi32, #tpu.memory_space<vmem>>, vector<16xi32>,
          %get3A_26 = arith.constant 1 : i32
          %get3A_27 = arith.index_cast %get3A_26 : i32 to index
          %get3A_28 = arith.index_cast %mul3A_22 : i32 to index
          %get3A_29 = tpu.vector_load %arg5[%get3A_27, %get3A_28] {strides = array<i32>} : memref<2x640xi32, #tpu.memory_space<vmem>>, vector<16xi32>,
          %mul3A_30 = arith.constant 360 : i32
          %mul3A_31 = vector.broadcast %mul3A_30 : i32 to vector<16xi32>
          %mul3A_32 = arith.muli %get3A_29, %mul3A_31 : vector<16xi32>
          %add3A_33 = arith.addi %mul3A_32, %get3A_25 : vector<16xi32>
          %add3A_34 = arith.addi %add3A_13, %mul3A_22 : i32
          %add3A_35 = vector.broadcast %add3A_34 : i32 to vector<16xi32>
          %add3A_36 = arith.addi %add3A_35, %iota3A : vector<16xi32>
          %lt3A_37 = arith.constant 60000 : i32
          %lt3A_38 = vector.broadcast %lt3A_37 : i32 to vector<16xi32>
          %lt3A_39 = arith.cmpi slt, %add3A_36, %lt3A_38 : vector<16xi32>
          %jit3A = arith.constant 1.000000e+00 : f32
          %jit3A_40 = arith.constant 0.000000e+00 : f32
          %broadcast_in_dim3A = vector.broadcast %jit3A : f32 to vector<16xf32>
          %broadcast_in_dim3A_41 = vector.broadcast %jit3A_40 : f32 to vector<16xf32>
          %select_n3A = arith.select %lt3A_39, %broadcast_in_dim3A, %broadcast_in_dim3A_41 : vector<16xi1>, vector<16xf32>
          %masked_sort3A = arith.constant dense<true> : vector<16xi1>
          %masked_sort3A_42 = arith.constant -2147483648 : i32
          %masked_sort3A_43 = vector.broadcast %masked_sort3A_42 : i32 to vector<16xi32>
          %masked_sort3A_44 = arith.xori %add3A_33, %masked_sort3A_43 : vector<16xi32>
          %masked_sort3A_45, %masked_sort3A_46, %masked_sort3A_47 = tpu.sort %masked_sort3A_44, %select_n3A masked %masked_sort3A : (vector<16xi32>, vector<16xf32>, vector<16xi1>) -> (vector<16xi1>, vector<16xi32>, vector<16xf32>)
          %masked_sort3A_48 = arith.xori %masked_sort3A_46, %masked_sort3A_43 : vector<16xi32>
          %broadcast_in_dim3A_49 = arith.constant true
          %broadcast_in_dim3A_50 = vector.broadcast %broadcast_in_dim3A_49 : i1 to vector<16xi1>
          %masked_cumsum3A = tpu.scan <sum>, %masked_sort3A_47 masked %broadcast_in_dim3A_50 : vector<16xf32>, vector<16xi1> -> vector<16xf32>
          %add3A_51 = arith.constant 1 : i32
          %add3A_52 = vector.broadcast %add3A_51 : i32 to vector<16xi32>
          %add3A_53 = arith.addi %iota3A, %add3A_52 : vector<16xi32>
          %min3A = arith.constant 15 : i32
          %min3A_54 = vector.broadcast %min3A : i32 to vector<16xi32>
          %min3A_55 = arith.minsi %add3A_53, %min3A_54 : vector<16xi32>
          %broadcast_in_dim3A_56 = vector.shape_cast %min3A_55 : vector<16xi32> to vector<16x1xi32>
          %gather3A = vector.shape_cast %broadcast_in_dim3A_56 : vector<16x1xi32> to vector<16xi32>
          %gather3A_57 = tpu.dynamic_gather %masked_sort3A_48[%gather3A] in [0] : vector<16xi32>, vector<16xi32> -> vector<16xi32>
          %ne3A = arith.cmpi ne, %masked_sort3A_48, %gather3A_57 : vector<16xi32>
          %eq3A = arith.constant 15 : i32
          %eq3A_58 = vector.broadcast %eq3A : i32 to vector<16xi32>
          %eq3A_59 = arith.cmpi eq, %iota3A, %eq3A_58 : vector<16xi32>
          %or3A = arith.ori %ne3A, %eq3A_59 : vector<16xi1>
          %jit3A_60 = arith.constant 0.000000e+00 : f32
          %broadcast_in_dim3A_61 = vector.broadcast %jit3A_60 : f32 to vector<16xf32>
          %select_n3A_62 = arith.select %or3A, %masked_cumsum3A, %broadcast_in_dim3A_61 : vector<16xi1>, vector<16xf32>
          %broadcast_in_dim3A_63 = arith.constant true
          %broadcast_in_dim3A_64 = vector.broadcast %broadcast_in_dim3A_63 : i1 to vector<16xi1>
          %masked_cummax3A = tpu.scan <max>, %select_n3A_62 masked %broadcast_in_dim3A_64 : vector<16xf32>, vector<16xi1> -> vector<16xf32>
          %eq3A_65 = arith.constant 0 : i32
          %eq3A_66 = vector.broadcast %eq3A_65 : i32 to vector<16xi32>
          %eq3A_67 = arith.cmpi eq, %iota3A, %eq3A_66 : vector<16xi32>
          %sub3A = arith.constant 1 : i32
          %sub3A_68 = vector.broadcast %sub3A : i32 to vector<16xi32>
          %sub3A_69 = arith.subi %iota3A, %sub3A_68 : vector<16xi32>
          %max3A = arith.constant 0 : i32
          %max3A_70 = vector.broadcast %max3A : i32 to vector<16xi32>
          %max3A_71 = arith.maxsi %sub3A_69, %max3A_70 : vector<16xi32>
          %broadcast_in_dim3A_72 = vector.shape_cast %max3A_71 : vector<16xi32> to vector<16x1xi32>
          %gather3A_73 = vector.shape_cast %broadcast_in_dim3A_72 : vector<16x1xi32> to vector<16xi32>
          %gather3A_74 = tpu.dynamic_gather %masked_cummax3A[%gather3A_73] in [0] : vector<16xf32>, vector<16xi32> -> vector<16xf32>
          %jit3A_75 = arith.constant 0.000000e+00 : f32
          %broadcast_in_dim3A_76 = vector.broadcast %jit3A_75 : f32 to vector<16xf32>
          %select_n3A_77 = arith.select %eq3A_67, %broadcast_in_dim3A_76, %gather3A_74 : vector<16xi1>, vector<16xf32>
          %sub3A_78 = arith.subf %masked_cumsum3A, %select_n3A_77 : vector<16xf32>
          tpu.vector_store_idx %arg6[%masked_sort3A_48], %sub3A_78 masked %or3A {add = true} : memref<129600xf32, #tpu.memory_space<vmem>>[vector<16xi32>], vector<16xf32>, vector<16xi1>
        }
        %scan3A_19 = arith.constant 40 : i32
      }
      %scan3A_7 = arith.constant 8 : i32
      "tpu.region"() ({
        %run_scoped3A = tpu.sem_alloc : memref<!tpu.dma_semaphore, #tpu.memory_space<semaphore_mem>>
        %dma_start3A = arith.constant 0 : i32
        %dma_start3A_8 = tpu.memref_slice %arg4[%add3A, %dma_start3A] : memref<12x129600xf32, #tpu.memory_space<hbm>> -> memref<1x129600xf32, #tpu.memory_space<hbm>>
        %dma_start3A_9 = tpu.memref_squeeze %dma_start3A_8 : memref<1x129600xf32, #tpu.memory_space<hbm>> -> memref<129600xf32, #tpu.memory_space<hbm>>
        %dma_start3A_10 = arith.constant 0 : i32
        %dma_start3A_11 = tpu.memref_slice %arg4[%add3A, %dma_start3A_10] : memref<12x129600xf32, #tpu.memory_space<hbm>> -> memref<1x129600xf32, #tpu.memory_space<hbm>>
        %dma_start3A_12 = tpu.memref_squeeze %dma_start3A_11 : memref<1x129600xf32, #tpu.memory_space<hbm>> -> memref<129600xf32, #tpu.memory_space<hbm>>
        tpu.enqueue_dma source(%arg6 : memref<129600xf32, #tpu.memory_space<vmem>>) target(%dma_start3A_12 : memref<129600xf32, #tpu.memory_space<hbm>>) target_semaphore(%run_scoped3A : memref<!tpu.dma_semaphore, #tpu.memory_space<semaphore_mem>>)
        %dma_wait3A = arith.constant 0 : i32
        %dma_wait3A_13 = tpu.memref_slice %arg4[%add3A, %dma_wait3A] : memref<12x129600xf32, #tpu.memory_space<hbm>> -> memref<1x129600xf32, #tpu.memory_space<hbm>>
        %dma_wait3A_14 = tpu.memref_squeeze %dma_wait3A_13 : memref<1x129600xf32, #tpu.memory_space<hbm>> -> memref<129600xf32, #tpu.memory_space<hbm>>
        %dma_wait3A_15 = arith.constant 0 : i32
        %dma_wait3A_16 = tpu.memref_slice %arg4[%add3A, %dma_wait3A_15] : memref<12x129600xf32, #tpu.memory_space<hbm>> -> memref<1x129600xf32, #tpu.memory_space<hbm>>
        %dma_wait3A_17 = tpu.memref_squeeze %dma_wait3A_16 : memref<1x129600xf32, #tpu.memory_space<hbm>> -> memref<129600xf32, #tpu.memory_space<hbm>>
        tpu.wait_dma2 semaphore(%run_scoped3A : memref<!tpu.dma_semaphore, #tpu.memory_space<semaphore_mem>>) src(%arg6 : memref<129600xf32, #tpu.memory_space<vmem>>) dst(%dma_wait3A_17 : memref<129600xf32, #tpu.memory_space<hbm>>)
        tpu.yield
      }) : () -> ()
    } else {
    }
    return
  }
}

module attributes {stable_mosaic.version = 14 : i64} {
  func.func @_fused_body(%arg0: i32, %arg1: memref<12x360x360xf32, #tpu.memory_space<vmem>>, %arg2: memref<360x512xf32, #tpu.memory_space<vmem>>, %arg3: memref<512x2048xf32, #tpu.memory_space<vmem>>, %arg4: memref<1x2048xf32, #tpu.memory_space<vmem>>, %arg5: memref<512x2048xf32, #tpu.memory_space<vmem>>, %arg6: memref<2048x800xf32, #tpu.memory_space<vmem>>, %arg7: memref<1x800xf32, #tpu.memory_space<vmem>>, %arg8: memref<2048x800xf32, #tpu.memory_space<vmem>>, %arg9: memref<800x1000xf32, #tpu.memory_space<vmem>>, %arg10: memref<800x1000xf32, #tpu.memory_space<vmem>>, %arg11: memref<128x512xf32, #tpu.memory_space<vmem>>, %arg12: memref<512x800xf32, #tpu.memory_space<vmem>>, %arg13: memref<1x800xf32, #tpu.memory_space<vmem>>, %arg14: memref<1x800xf32, #tpu.memory_space<vmem>>, %arg15: memref<1x800xf32, #tpu.memory_space<vmem>>, %arg16: memref<800x1000xf32, #tpu.memory_space<vmem>>, %arg17: memref<1x1000xf32, #tpu.memory_space<vmem>>, %arg18: memref<1x1000xf32, #tpu.memory_space<vmem>>, %arg19: memref<1x1000xf32, #tpu.memory_space<vmem>>, %arg20: memref<1000x800xf32, #tpu.memory_space<vmem>>, %arg21: memref<1x800xf32, #tpu.memory_space<vmem>>, %arg22: memref<1x800xf32, #tpu.memory_space<vmem>>, %arg23: memref<1x800xf32, #tpu.memory_space<vmem>>, %arg24: memref<1x1000xf32, #tpu.memory_space<vmem>>, %arg25: memref<1x1000xf32, #tpu.memory_space<vmem>>, %arg26: memref<1x1000xf32, #tpu.memory_space<vmem>>, %arg27: memref<1000x800xf32, #tpu.memory_space<vmem>>, %arg28: memref<1x800xf32, #tpu.memory_space<vmem>>, %arg29: memref<1x800xf32, #tpu.memory_space<vmem>>, %arg30: memref<1x800xf32, #tpu.memory_space<vmem>>, %arg31: memref<128x1280xf32, #tpu.memory_space<vmem>>, %arg32: memref<23x8x1000xf32, #tpu.memory_space<vmem>>, %arg33: memref<256x1000xf32, #tpu.memory_space<vmem>>, %arg34: memref<128x800xf32, #tpu.memory_space<vmem>>) attributes {dimension_semantics = [#tpu.dimension_semantics<arbitrary>], iteration_bounds = array<i64: 24>, scalar_prefetch = 0 : i64, scratch_operands = 3 : i64, tpu.core_type = #tpu.core_type<tc>, window_params = [{pipeline_mode = #tpu.pipeline_mode<synchronous>, transform_indices = @transform_0, window_bounds = array<i64: 12, 360, 360>}, {pipeline_mode = #tpu.pipeline_mode<synchronous>, transform_indices = @transform_1, window_bounds = array<i64: 360, 512>}, {pipeline_mode = #tpu.pipeline_mode<synchronous>, transform_indices = @transform_2, window_bounds = array<i64: 512, 2048>}, {pipeline_mode = #tpu.pipeline_mode<synchronous>, transform_indices = @transform_3, window_bounds = array<i64: 1, 2048>}, {pipeline_mode = #tpu.pipeline_mode<synchronous>, transform_indices = @transform_4, window_bounds = array<i64: 512, 2048>}, {pipeline_mode = #tpu.pipeline_mode<synchronous>, transform_indices = @transform_5, window_bounds = array<i64: 2048, 800>}, {pipeline_mode = #tpu.pipeline_mode<synchronous>, transform_indices = @transform_6, window_bounds = array<i64: 1, 800>}, {pipeline_mode = #tpu.pipeline_mode<synchronous>, transform_indices = @transform_7, window_bounds = array<i64: 2048, 800>}, {pipeline_mode = #tpu.pipeline_mode<synchronous>, transform_indices = @transform_8, window_bounds = array<i64: 800, 1000>}, {pipeline_mode = #tpu.pipeline_mode<synchronous>, transform_indices = @transform_9, window_bounds = array<i64: 800, 1000>}, {pipeline_mode = #tpu.pipeline_mode<synchronous>, transform_indices = @transform_10, window_bounds = array<i64: 128, 512>}, {pipeline_mode = #tpu.pipeline_mode<synchronous>, transform_indices = @transform_11, window_bounds = array<i64: 512, 800>}, {pipeline_mode = #tpu.pipeline_mode<synchronous>, transform_indices = @transform_12, window_bounds = array<i64: 1, 800>}, {pipeline_mode = #tpu.pipeline_mode<synchronous>, transform_indices = @transform_13, window_bounds = array<i64: 1, 800>}, {pipeline_mode = #tpu.pipeline_mode<synchronous>, transform_indices = @transform_14, window_bounds = array<i64: 1, 800>}, {pipeline_mode = #tpu.pipeline_mode<synchronous>, transform_indices = @transform_15, window_bounds = array<i64: 800, 1000>}, {pipeline_mode = #tpu.pipeline_mode<synchronous>, transform_indices = @transform_16, window_bounds = array<i64: 1, 1000>}, {pipeline_mode = #tpu.pipeline_mode<synchronous>, transform_indices = @transform_17, window_bounds = array<i64: 1, 1000>}, {pipeline_mode = #tpu.pipeline_mode<synchronous>, transform_indices = @transform_18, window_bounds = array<i64: 1, 1000>}, {pipeline_mode = #tpu.pipeline_mode<synchronous>, transform_indices = @transform_19, window_bounds = array<i64: 1000, 800>}, {pipeline_mode = #tpu.pipeline_mode<synchronous>, transform_indices = @transform_20, window_bounds = array<i64: 1, 800>}, {pipeline_mode = #tpu.pipeline_mode<synchronous>, transform_indices = @transform_21, window_bounds = array<i64: 1, 800>}, {pipeline_mode = #tpu.pipeline_mode<synchronous>, transform_indices = @transform_22, window_bounds = array<i64: 1, 800>}, {pipeline_mode = #tpu.pipeline_mode<synchronous>, transform_indices = @transform_23, window_bounds = array<i64: 1, 1000>}, {pipeline_mode = #tpu.pipeline_mode<synchronous>, transform_indices = @transform_24, window_bounds = array<i64: 1, 1000>}, {pipeline_mode = #tpu.pipeline_mode<synchronous>, transform_indices = @transform_25, window_bounds = array<i64: 1, 1000>}, {pipeline_mode = #tpu.pipeline_mode<synchronous>, transform_indices = @transform_26, window_bounds = array<i64: 1000, 800>}, {pipeline_mode = #tpu.pipeline_mode<synchronous>, transform_indices = @transform_27, window_bounds = array<i64: 1, 800>}, {pipeline_mode = #tpu.pipeline_mode<synchronous>, transform_indices = @transform_28, window_bounds = array<i64: 1, 800>}, {pipeline_mode = #tpu.pipeline_mode<synchronous>, transform_indices = @transform_29, window_bounds = array<i64: 1, 800>}, {transform_indices = @transform_30, window_bounds = array<i64: 128, 1280>}]} {
    %eq3A = arith.constant 0 : i32
    %eq3A_0 = arith.cmpi eq, %arg0, %eq3A : i32
    %convert_element_type3A = arith.extui %eq3A_0 : i1 to i32
    %cond3A = arith.constant 0 : i32
    %cond3A_1 = arith.cmpi ne, %convert_element_type3A, %cond3A : i32
    scf.if %cond3A_1 {
      %get3A = arith.constant 0 : index
      %get3A_6 = arith.constant 0 : index
      %get3A_7 = arith.constant 0 : index
      %get3A_8 = vector.load %arg1[%get3A, %get3A_6, %get3A_7] : memref<12x360x360xf32, #tpu.memory_space<vmem>>, vector<12x360x360xf32>
      %reduce_sum3A = arith.constant dense<0.000000e+00> : vector<360x360xf32>
      %reduce_sum3A_9 = vector.multi_reduction <add>, %get3A_8, %reduce_sum3A [0] : vector<12x360x360xf32> to vector<360x360xf32>
      %reduce_sum3A_10 = arith.constant dense<0.000000e+00> : vector<360xf32>
      %reduce_sum3A_11 = vector.multi_reduction <add>, %reduce_sum3A_9, %reduce_sum3A_10 [1] : vector<360x360xf32> to vector<360xf32>
      %broadcast_in_dim3A = vector.shape_cast %reduce_sum3A_11 : vector<360xf32> to vector<360x1xf32>
      %max3A = arith.constant 1.000000e+00 : f32
      %max3A_12 = vector.broadcast %max3A : f32 to vector<360x1xf32>
      %max3A_13 = arith.maximumf %broadcast_in_dim3A, %max3A_12 : vector<360x1xf32>
      %div3A = vector.broadcast %max3A_13 : vector<360x1xf32> to vector<360x360xf32>
      %div3A_14 = arith.divf %reduce_sum3A_9, %div3A : vector<360x360xf32>
      %get3A_15 = arith.constant 0 : index
      %get3A_16 = arith.constant 0 : index
      %get3A_17 = vector.load %arg2[%get3A_15, %get3A_16] : memref<360x512xf32, #tpu.memory_space<vmem>>, vector<360x512xf32>
      %dot_general3A = arith.constant dense<0.000000e+00> : vector<360x512xf32>
      %dot_general3A_18 = tpu.matmul %div3A_14, %get3A_17, %dot_general3A {dimension_numbers = #tpu.dot_dimension_numbers<[1], [0], [0], [1], [0, 0, 1, 1], [], []>, transpose_lhs_hint = false} : vector<360x360xf32>, vector<360x512xf32>, vector<360x512xf32> -> vector<360x512xf32>
      %get3A_19 = arith.constant 0 : index
      %get3A_20 = arith.constant 0 : index
      %get3A_21 = vector.load %arg3[%get3A_19, %get3A_20] : memref<512x2048xf32, #tpu.memory_space<vmem>>, vector<512x2048xf32>
      %dot_general3A_22 = arith.constant dense<0.000000e+00> : vector<360x2048xf32>
      %dot_general3A_23 = tpu.matmul %dot_general3A_18, %get3A_21, %dot_general3A_22 {dimension_numbers = #tpu.dot_dimension_numbers<[1], [0], [0], [1], [0, 0, 1, 1], [], []>, transpose_lhs_hint = false} : vector<360x512xf32>, vector<512x2048xf32>, vector<360x2048xf32> -> vector<360x2048xf32>
      %get3A_24 = arith.constant 0 : index
      %get3A_25 = arith.constant 0 : index
      %get3A_26 = vector.load %arg4[%get3A_24, %get3A_25] : memref<1x2048xf32, #tpu.memory_space<vmem>>, vector<1x2048xf32>
      %add3A = vector.broadcast %get3A_26 : vector<1x2048xf32> to vector<360x2048xf32>
      %add3A_27 = arith.addf %dot_general3A_23, %add3A : vector<360x2048xf32>
      %get3A_28 = arith.constant 0 : index
      %get3A_29 = arith.constant 0 : index
      %get3A_30 = vector.load %arg5[%get3A_28, %get3A_29] : memref<512x2048xf32, #tpu.memory_space<vmem>>, vector<512x2048xf32>
      %dot_general3A_31 = arith.constant dense<0.000000e+00> : vector<360x2048xf32>
      %dot_general3A_32 = tpu.matmul %get3A_17, %get3A_30, %dot_general3A_31 {dimension_numbers = #tpu.dot_dimension_numbers<[1], [0], [0], [1], [0, 0, 1, 1], [], []>, transpose_lhs_hint = false} : vector<360x512xf32>, vector<512x2048xf32>, vector<360x2048xf32> -> vector<360x2048xf32>
      %add3A_33 = arith.addf %add3A_27, %dot_general3A_32 : vector<360x2048xf32>
      %max3A_34 = arith.constant 0.000000e+00 : f32
      %max3A_35 = vector.broadcast %max3A_34 : f32 to vector<360x2048xf32>
      %max3A_36 = arith.maximumf %add3A_33, %max3A_35 : vector<360x2048xf32>
      %dot_general3A_37 = arith.constant dense<0.000000e+00> : vector<360x2048xf32>
      %dot_general3A_38 = tpu.matmul %div3A_14, %max3A_36, %dot_general3A_37 {dimension_numbers = #tpu.dot_dimension_numbers<[1], [0], [0], [1], [0, 0, 1, 1], [], []>, transpose_lhs_hint = false} : vector<360x360xf32>, vector<360x2048xf32>, vector<360x2048xf32> -> vector<360x2048xf32>
      %get3A_39 = arith.constant 0 : index
      %get3A_40 = arith.constant 0 : index
      %get3A_41 = vector.load %arg6[%get3A_39, %get3A_40] : memref<2048x800xf32, #tpu.memory_space<vmem>>, vector<2048x800xf32>
      %dot_general3A_42 = arith.constant dense<0.000000e+00> : vector<360x800xf32>
      %dot_general3A_43 = tpu.matmul %dot_general3A_38, %get3A_41, %dot_general3A_42 {dimension_numbers = #tpu.dot_dimension_numbers<[1], [0], [0], [1], [0, 0, 1, 1], [], []>, transpose_lhs_hint = false} : vector<360x2048xf32>, vector<2048x800xf32>, vector<360x800xf32> -> vector<360x800xf32>
      %get3A_44 = arith.constant 0 : index
      %get3A_45 = arith.constant 0 : index
      %get3A_46 = vector.load %arg7[%get3A_44, %get3A_45] : memref<1x800xf32, #tpu.memory_space<vmem>>, vector<1x800xf32>
      %add3A_47 = vector.broadcast %get3A_46 : vector<1x800xf32> to vector<360x800xf32>
      %add3A_48 = arith.addf %dot_general3A_43, %add3A_47 : vector<360x800xf32>
      %get3A_49 = arith.constant 0 : index
      %get3A_50 = arith.constant 0 : index
      %get3A_51 = vector.load %arg8[%get3A_49, %get3A_50] : memref<2048x800xf32, #tpu.memory_space<vmem>>, vector<2048x800xf32>
      %dot_general3A_52 = arith.constant dense<0.000000e+00> : vector<360x800xf32>
      %dot_general3A_53 = tpu.matmul %max3A_36, %get3A_51, %dot_general3A_52 {dimension_numbers = #tpu.dot_dimension_numbers<[1], [0], [0], [1], [0, 0, 1, 1], [], []>, transpose_lhs_hint = false} : vector<360x2048xf32>, vector<2048x800xf32>, vector<360x800xf32> -> vector<360x800xf32>
      %add3A_54 = arith.addf %add3A_48, %dot_general3A_53 : vector<360x800xf32>
      %slice3A = vector.extract_strided_slice %add3A_54 {offsets = [0, 0], sizes = [115, 800], strides = [1, 1]} : vector<360x800xf32> to vector<115x800xf32>
      %get3A_55 = arith.constant 0 : index
      %get3A_56 = arith.constant 0 : index
      %get3A_57 = vector.load %arg9[%get3A_55, %get3A_56] : memref<800x1000xf32, #tpu.memory_space<vmem>>, vector<800x1000xf32>
      %dot_general3A_58 = arith.constant dense<0.000000e+00> : vector<115x1000xf32>
      %dot_general3A_59 = tpu.matmul %slice3A, %get3A_57, %dot_general3A_58 {dimension_numbers = #tpu.dot_dimension_numbers<[1], [0], [0], [1], [0, 0, 1, 1], [], []>, transpose_lhs_hint = false} : vector<115x800xf32>, vector<800x1000xf32>, vector<115x1000xf32> -> vector<115x1000xf32>
      %slice3A_60 = vector.extract_strided_slice %add3A_54 {offsets = [115, 0], sizes = [245, 800], strides = [1, 1]} : vector<360x800xf32> to vector<245x800xf32>
      %get3A_61 = arith.constant 0 : index
      %get3A_62 = arith.constant 0 : index
      %get3A_63 = vector.load %arg10[%get3A_61, %get3A_62] : memref<800x1000xf32, #tpu.memory_space<vmem>>, vector<800x1000xf32>
      %dot_general3A_64 = arith.constant dense<0.000000e+00> : vector<245x1000xf32>
      %dot_general3A_65 = tpu.matmul %slice3A_60, %get3A_63, %dot_general3A_64 {dimension_numbers = #tpu.dot_dimension_numbers<[1], [0], [0], [1], [0, 0, 1, 1], [], []>, transpose_lhs_hint = false} : vector<245x800xf32>, vector<800x1000xf32>, vector<245x1000xf32> -> vector<245x1000xf32>
      %slice3A_66 = vector.extract_strided_slice %dot_general3A_59 {offsets = [0, 0], sizes = [5, 1000], strides = [1, 1]} : vector<115x1000xf32> to vector<5x1000xf32>
      %swap3A = arith.constant 0 : index
      %swap3A_67 = arith.constant 0 : index
      %swap3A_68 = arith.constant 0 : index
      %swap3A_69 = vector.load %arg32[%swap3A, %swap3A_67, %swap3A_68] : memref<23x8x1000xf32, #tpu.memory_space<vmem>>, vector<1x5x1000xf32>
      %swap3A_70 = vector.shape_cast %swap3A_69 : vector<1x5x1000xf32> to vector<5x1000xf32>
      %swap3A_71 = vector.shape_cast %slice3A_66 : vector<5x1000xf32> to vector<1x5x1000xf32>
      tpu.vector_store %arg32[%swap3A, %swap3A_67, %swap3A_68], %swap3A_71 {strides = array<i32>} : memref<23x8x1000xf32, #tpu.memory_space<vmem>>, vector<1x5x1000xf32>,
      %slice3A_72 = vector.extract_strided_slice %dot_general3A_59 {offsets = [5, 0], sizes = [5, 1000], strides = [1, 1]} : vector<115x1000xf32> to vector<5x1000xf32>
      %swap3A_73 = arith.constant 1 : index
      %swap3A_74 = arith.constant 0 : index
      %swap3A_75 = arith.constant 0 : index
      %swap3A_76 = vector.load %arg32[%swap3A_73, %swap3A_74, %swap3A_75] : memref<23x8x1000xf32, #tpu.memory_space<vmem>>, vector<1x5x1000xf32>
      %swap3A_77 = vector.shape_cast %swap3A_76 : vector<1x5x1000xf32> to vector<5x1000xf32>
      %swap3A_78 = vector.shape_cast %slice3A_72 : vector<5x1000xf32> to vector<1x5x1000xf32>
      tpu.vector_store %arg32[%swap3A_73, %swap3A_74, %swap3A_75], %swap3A_78 {strides = array<i32>} : memref<23x8x1000xf32, #tpu.memory_space<vmem>>, vector<1x5x1000xf32>,
      %slice3A_79 = vector.extract_strided_slice %dot_general3A_59 {offsets = [10, 0], sizes = [5, 1000], strides = [1, 1]} : vector<115x1000xf32> to vector<5x1000xf32>
      %swap3A_80 = arith.constant 2 : index
      %swap3A_81 = arith.constant 0 : index
      %swap3A_82 = arith.constant 0 : index
      %swap3A_83 = vector.load %arg32[%swap3A_80, %swap3A_81, %swap3A_82] : memref<23x8x1000xf32, #tpu.memory_space<vmem>>, vector<1x5x1000xf32>
      %swap3A_84 = vector.shape_cast %swap3A_83 : vector<1x5x1000xf32> to vector<5x1000xf32>
      %swap3A_85 = vector.shape_cast %slice3A_79 : vector<5x1000xf32> to vector<1x5x1000xf32>
      tpu.vector_store %arg32[%swap3A_80, %swap3A_81, %swap3A_82], %swap3A_85 {strides = array<i32>} : memref<23x8x1000xf32, #tpu.memory_space<vmem>>, vector<1x5x1000xf32>,
      %slice3A_86 = vector.extract_strided_slice %dot_general3A_59 {offsets = [15, 0], sizes = [5, 1000], strides = [1, 1]} : vector<115x1000xf32> to vector<5x1000xf32>
      %swap3A_87 = arith.constant 3 : index
      %swap3A_88 = arith.constant 0 : index
      %swap3A_89 = arith.constant 0 : index
      %swap3A_90 = vector.load %arg32[%swap3A_87, %swap3A_88, %swap3A_89] : memref<23x8x1000xf32, #tpu.memory_space<vmem>>, vector<1x5x1000xf32>
      %swap3A_91 = vector.shape_cast %swap3A_90 : vector<1x5x1000xf32> to vector<5x1000xf32>
      %swap3A_92 = vector.shape_cast %slice3A_86 : vector<5x1000xf32> to vector<1x5x1000xf32>
      tpu.vector_store %arg32[%swap3A_87, %swap3A_88, %swap3A_89], %swap3A_92 {strides = array<i32>} : memref<23x8x1000xf32, #tpu.memory_space<vmem>>, vector<1x5x1000xf32>,
      %slice3A_93 = vector.extract_strided_slice %dot_general3A_59 {offsets = [20, 0], sizes = [5, 1000], strides = [1, 1]} : vector<115x1000xf32> to vector<5x1000xf32>
      %swap3A_94 = arith.constant 4 : index
      %swap3A_95 = arith.constant 0 : index
      %swap3A_96 = arith.constant 0 : index
      %swap3A_97 = vector.load %arg32[%swap3A_94, %swap3A_95, %swap3A_96] : memref<23x8x1000xf32, #tpu.memory_space<vmem>>, vector<1x5x1000xf32>
      %swap3A_98 = vector.shape_cast %swap3A_97 : vector<1x5x1000xf32> to vector<5x1000xf32>
      %swap3A_99 = vector.shape_cast %slice3A_93 : vector<5x1000xf32> to vector<1x5x1000xf32>
      tpu.vector_store %arg32[%swap3A_94, %swap3A_95, %swap3A_96], %swap3A_99 {strides = array<i32>} : memref<23x8x1000xf32, #tpu.memory_space<vmem>>, vector<1x5x1000xf32>,
      %slice3A_100 = vector.extract_strided_slice %dot_general3A_59 {offsets = [25, 0], sizes = [5, 1000], strides = [1, 1]} : vector<115x1000xf32> to vector<5x1000xf32>
      %swap3A_101 = arith.constant 5 : index
      %swap3A_102 = arith.constant 0 : index
      %swap3A_103 = arith.constant 0 : index
      %swap3A_104 = vector.load %arg32[%swap3A_101, %swap3A_102, %swap3A_103] : memref<23x8x1000xf32, #tpu.memory_space<vmem>>, vector<1x5x1000xf32>
      %swap3A_105 = vector.shape_cast %swap3A_104 : vector<1x5x1000xf32> to vector<5x1000xf32>
      %swap3A_106 = vector.shape_cast %slice3A_100 : vector<5x1000xf32> to vector<1x5x1000xf32>
      tpu.vector_store %arg32[%swap3A_101, %swap3A_102, %swap3A_103], %swap3A_106 {strides = array<i32>} : memref<23x8x1000xf32, #tpu.memory_space<vmem>>, vector<1x5x1000xf32>,
      %slice3A_107 = vector.extract_strided_slice %dot_general3A_59 {offsets = [30, 0], sizes = [5, 1000], strides = [1, 1]} : vector<115x1000xf32> to vector<5x1000xf32>
      %swap3A_108 = arith.constant 6 : index
      %swap3A_109 = arith.constant 0 : index
      %swap3A_110 = arith.constant 0 : index
      %swap3A_111 = vector.load %arg32[%swap3A_108, %swap3A_109, %swap3A_110] : memref<23x8x1000xf32, #tpu.memory_space<vmem>>, vector<1x5x1000xf32>
      %swap3A_112 = vector.shape_cast %swap3A_111 : vector<1x5x1000xf32> to vector<5x1000xf32>
      %swap3A_113 = vector.shape_cast %slice3A_107 : vector<5x1000xf32> to vector<1x5x1000xf32>
      tpu.vector_store %arg32[%swap3A_108, %swap3A_109, %swap3A_110], %swap3A_113 {strides = array<i32>} : memref<23x8x1000xf32, #tpu.memory_space<vmem>>, vector<1x5x1000xf32>,
      %slice3A_114 = vector.extract_strided_slice %dot_general3A_59 {offsets = [35, 0], sizes = [5, 1000], strides = [1, 1]} : vector<115x1000xf32> to vector<5x1000xf32>
      %swap3A_115 = arith.constant 7 : index
      %swap3A_116 = arith.constant 0 : index
      %swap3A_117 = arith.constant 0 : index
      %swap3A_118 = vector.load %arg32[%swap3A_115, %swap3A_116, %swap3A_117] : memref<23x8x1000xf32, #tpu.memory_space<vmem>>, vector<1x5x1000xf32>
      %swap3A_119 = vector.shape_cast %swap3A_118 : vector<1x5x1000xf32> to vector<5x1000xf32>
      %swap3A_120 = vector.shape_cast %slice3A_114 : vector<5x1000xf32> to vector<1x5x1000xf32>
      tpu.vector_store %arg32[%swap3A_115, %swap3A_116, %swap3A_117], %swap3A_120 {strides = array<i32>} : memref<23x8x1000xf32, #tpu.memory_space<vmem>>, vector<1x5x1000xf32>,
      %slice3A_121 = vector.extract_strided_slice %dot_general3A_59 {offsets = [40, 0], sizes = [5, 1000], strides = [1, 1]} : vector<115x1000xf32> to vector<5x1000xf32>
      %swap3A_122 = arith.constant 8 : index
      %swap3A_123 = arith.constant 0 : index
      %swap3A_124 = arith.constant 0 : index
      %swap3A_125 = vector.load %arg32[%swap3A_122, %swap3A_123, %swap3A_124] : memref<23x8x1000xf32, #tpu.memory_space<vmem>>, vector<1x5x1000xf32>
      %swap3A_126 = vector.shape_cast %swap3A_125 : vector<1x5x1000xf32> to vector<5x1000xf32>
      %swap3A_127 = vector.shape_cast %slice3A_121 : vector<5x1000xf32> to vector<1x5x1000xf32>
      tpu.vector_store %arg32[%swap3A_122, %swap3A_123, %swap3A_124], %swap3A_127 {strides = array<i32>} : memref<23x8x1000xf32, #tpu.memory_space<vmem>>, vector<1x5x1000xf32>,
      %slice3A_128 = vector.extract_strided_slice %dot_general3A_59 {offsets = [45, 0], sizes = [5, 1000], strides = [1, 1]} : vector<115x1000xf32> to vector<5x1000xf32>
      %swap3A_129 = arith.constant 9 : index
      %swap3A_130 = arith.constant 0 : index
      %swap3A_131 = arith.constant 0 : index
      %swap3A_132 = vector.load %arg32[%swap3A_129, %swap3A_130, %swap3A_131] : memref<23x8x1000xf32, #tpu.memory_space<vmem>>, vector<1x5x1000xf32>
      %swap3A_133 = vector.shape_cast %swap3A_132 : vector<1x5x1000xf32> to vector<5x1000xf32>
      %swap3A_134 = vector.shape_cast %slice3A_128 : vector<5x1000xf32> to vector<1x5x1000xf32>
      tpu.vector_store %arg32[%swap3A_129, %swap3A_130, %swap3A_131], %swap3A_134 {strides = array<i32>} : memref<23x8x1000xf32, #tpu.memory_space<vmem>>, vector<1x5x1000xf32>,
      %slice3A_135 = vector.extract_strided_slice %dot_general3A_59 {offsets = [50, 0], sizes = [5, 1000], strides = [1, 1]} : vector<115x1000xf32> to vector<5x1000xf32>
      %swap3A_136 = arith.constant 10 : index
      %swap3A_137 = arith.constant 0 : index
      %swap3A_138 = arith.constant 0 : index
      %swap3A_139 = vector.load %arg32[%swap3A_136, %swap3A_137, %swap3A_138] : memref<23x8x1000xf32, #tpu.memory_space<vmem>>, vector<1x5x1000xf32>
      %swap3A_140 = vector.shape_cast %swap3A_139 : vector<1x5x1000xf32> to vector<5x1000xf32>
      %swap3A_141 = vector.shape_cast %slice3A_135 : vector<5x1000xf32> to vector<1x5x1000xf32>
      tpu.vector_store %arg32[%swap3A_136, %swap3A_137, %swap3A_138], %swap3A_141 {strides = array<i32>} : memref<23x8x1000xf32, #tpu.memory_space<vmem>>, vector<1x5x1000xf32>,
      %slice3A_142 = vector.extract_strided_slice %dot_general3A_59 {offsets = [55, 0], sizes = [5, 1000], strides = [1, 1]} : vector<115x1000xf32> to vector<5x1000xf32>
      %swap3A_143 = arith.constant 11 : index
      %swap3A_144 = arith.constant 0 : index
      %swap3A_145 = arith.constant 0 : index
      %swap3A_146 = vector.load %arg32[%swap3A_143, %swap3A_144, %swap3A_145] : memref<23x8x1000xf32, #tpu.memory_space<vmem>>, vector<1x5x1000xf32>
      %swap3A_147 = vector.shape_cast %swap3A_146 : vector<1x5x1000xf32> to vector<5x1000xf32>
      %swap3A_148 = vector.shape_cast %slice3A_142 : vector<5x1000xf32> to vector<1x5x1000xf32>
      tpu.vector_store %arg32[%swap3A_143, %swap3A_144, %swap3A_145], %swap3A_148 {strides = array<i32>} : memref<23x8x1000xf32, #tpu.memory_space<vmem>>, vector<1x5x1000xf32>,
      %slice3A_149 = vector.extract_strided_slice %dot_general3A_59 {offsets = [60, 0], sizes = [5, 1000], strides = [1, 1]} : vector<115x1000xf32> to vector<5x1000xf32>
      %swap3A_150 = arith.constant 12 : index
      %swap3A_151 = arith.constant 0 : index
      %swap3A_152 = arith.constant 0 : index
      %swap3A_153 = vector.load %arg32[%swap3A_150, %swap3A_151, %swap3A_152] : memref<23x8x1000xf32, #tpu.memory_space<vmem>>, vector<1x5x1000xf32>
      %swap3A_154 = vector.shape_cast %swap3A_153 : vector<1x5x1000xf32> to vector<5x1000xf32>
      %swap3A_155 = vector.shape_cast %slice3A_149 : vector<5x1000xf32> to vector<1x5x1000xf32>
      tpu.vector_store %arg32[%swap3A_150, %swap3A_151, %swap3A_152], %swap3A_155 {strides = array<i32>} : memref<23x8x1000xf32, #tpu.memory_space<vmem>>, vector<1x5x1000xf32>,
      %slice3A_156 = vector.extract_strided_slice %dot_general3A_59 {offsets = [65, 0], sizes = [5, 1000], strides = [1, 1]} : vector<115x1000xf32> to vector<5x1000xf32>
      %swap3A_157 = arith.constant 13 : index
      %swap3A_158 = arith.constant 0 : index
      %swap3A_159 = arith.constant 0 : index
      %swap3A_160 = vector.load %arg32[%swap3A_157, %swap3A_158, %swap3A_159] : memref<23x8x1000xf32, #tpu.memory_space<vmem>>, vector<1x5x1000xf32>
      %swap3A_161 = vector.shape_cast %swap3A_160 : vector<1x5x1000xf32> to vector<5x1000xf32>
      %swap3A_162 = vector.shape_cast %slice3A_156 : vector<5x1000xf32> to vector<1x5x1000xf32>
      tpu.vector_store %arg32[%swap3A_157, %swap3A_158, %swap3A_159], %swap3A_162 {strides = array<i32>} : memref<23x8x1000xf32, #tpu.memory_space<vmem>>, vector<1x5x1000xf32>,
      %slice3A_163 = vector.extract_strided_slice %dot_general3A_59 {offsets = [70, 0], sizes = [5, 1000], strides = [1, 1]} : vector<115x1000xf32> to vector<5x1000xf32>
      %swap3A_164 = arith.constant 14 : index
      %swap3A_165 = arith.constant 0 : index
      %swap3A_166 = arith.constant 0 : index
      %swap3A_167 = vector.load %arg32[%swap3A_164, %swap3A_165, %swap3A_166] : memref<23x8x1000xf32, #tpu.memory_space<vmem>>, vector<1x5x1000xf32>
      %swap3A_168 = vector.shape_cast %swap3A_167 : vector<1x5x1000xf32> to vector<5x1000xf32>
      %swap3A_169 = vector.shape_cast %slice3A_163 : vector<5x1000xf32> to vector<1x5x1000xf32>
      tpu.vector_store %arg32[%swap3A_164, %swap3A_165, %swap3A_166], %swap3A_169 {strides = array<i32>} : memref<23x8x1000xf32, #tpu.memory_space<vmem>>, vector<1x5x1000xf32>,
      %slice3A_170 = vector.extract_strided_slice %dot_general3A_59 {offsets = [75, 0], sizes = [5, 1000], strides = [1, 1]} : vector<115x1000xf32> to vector<5x1000xf32>
      %swap3A_171 = arith.constant 15 : index
      %swap3A_172 = arith.constant 0 : index
      %swap3A_173 = arith.constant 0 : index
      %swap3A_174 = vector.load %arg32[%swap3A_171, %swap3A_172, %swap3A_173] : memref<23x8x1000xf32, #tpu.memory_space<vmem>>, vector<1x5x1000xf32>
      %swap3A_175 = vector.shape_cast %swap3A_174 : vector<1x5x1000xf32> to vector<5x1000xf32>
      %swap3A_176 = vector.shape_cast %slice3A_170 : vector<5x1000xf32> to vector<1x5x1000xf32>
      tpu.vector_store %arg32[%swap3A_171, %swap3A_172, %swap3A_173], %swap3A_176 {strides = array<i32>} : memref<23x8x1000xf32, #tpu.memory_space<vmem>>, vector<1x5x1000xf32>,
      %slice3A_177 = vector.extract_strided_slice %dot_general3A_59 {offsets = [80, 0], sizes = [5, 1000], strides = [1, 1]} : vector<115x1000xf32> to vector<5x1000xf32>
      %swap3A_178 = arith.constant 16 : index
      %swap3A_179 = arith.constant 0 : index
      %swap3A_180 = arith.constant 0 : index
      %swap3A_181 = vector.load %arg32[%swap3A_178, %swap3A_179, %swap3A_180] : memref<23x8x1000xf32, #tpu.memory_space<vmem>>, vector<1x5x1000xf32>
      %swap3A_182 = vector.shape_cast %swap3A_181 : vector<1x5x1000xf32> to vector<5x1000xf32>
      %swap3A_183 = vector.shape_cast %slice3A_177 : vector<5x1000xf32> to vector<1x5x1000xf32>
      tpu.vector_store %arg32[%swap3A_178, %swap3A_179, %swap3A_180], %swap3A_183 {strides = array<i32>} : memref<23x8x1000xf32, #tpu.memory_space<vmem>>, vector<1x5x1000xf32>,
      %slice3A_184 = vector.extract_strided_slice %dot_general3A_59 {offsets = [85, 0], sizes = [5, 1000], strides = [1, 1]} : vector<115x1000xf32> to vector<5x1000xf32>
      %swap3A_185 = arith.constant 17 : index
      %swap3A_186 = arith.constant 0 : index
      %swap3A_187 = arith.constant 0 : index
      %swap3A_188 = vector.load %arg32[%swap3A_185, %swap3A_186, %swap3A_187] : memref<23x8x1000xf32, #tpu.memory_space<vmem>>, vector<1x5x1000xf32>
      %swap3A_189 = vector.shape_cast %swap3A_188 : vector<1x5x1000xf32> to vector<5x1000xf32>
      %swap3A_190 = vector.shape_cast %slice3A_184 : vector<5x1000xf32> to vector<1x5x1000xf32>
      tpu.vector_store %arg32[%swap3A_185, %swap3A_186, %swap3A_187], %swap3A_190 {strides = array<i32>} : memref<23x8x1000xf32, #tpu.memory_space<vmem>>, vector<1x5x1000xf32>,
      %slice3A_191 = vector.extract_strided_slice %dot_general3A_59 {offsets = [90, 0], sizes = [5, 1000], strides = [1, 1]} : vector<115x1000xf32> to vector<5x1000xf32>
      %swap3A_192 = arith.constant 18 : index
      %swap3A_193 = arith.constant 0 : index
      %swap3A_194 = arith.constant 0 : index
      %swap3A_195 = vector.load %arg32[%swap3A_192, %swap3A_193, %swap3A_194] : memref<23x8x1000xf32, #tpu.memory_space<vmem>>, vector<1x5x1000xf32>
      %swap3A_196 = vector.shape_cast %swap3A_195 : vector<1x5x1000xf32> to vector<5x1000xf32>
      %swap3A_197 = vector.shape_cast %slice3A_191 : vector<5x1000xf32> to vector<1x5x1000xf32>
      tpu.vector_store %arg32[%swap3A_192, %swap3A_193, %swap3A_194], %swap3A_197 {strides = array<i32>} : memref<23x8x1000xf32, #tpu.memory_space<vmem>>, vector<1x5x1000xf32>,
      %slice3A_198 = vector.extract_strided_slice %dot_general3A_59 {offsets = [95, 0], sizes = [5, 1000], strides = [1, 1]} : vector<115x1000xf32> to vector<5x1000xf32>
      %swap3A_199 = arith.constant 19 : index
      %swap3A_200 = arith.constant 0 : index
      %swap3A_201 = arith.constant 0 : index
      %swap3A_202 = vector.load %arg32[%swap3A_199, %swap3A_200, %swap3A_201] : memref<23x8x1000xf32, #tpu.memory_space<vmem>>, vector<1x5x1000xf32>
      %swap3A_203 = vector.shape_cast %swap3A_202 : vector<1x5x1000xf32> to vector<5x1000xf32>
      %swap3A_204 = vector.shape_cast %slice3A_198 : vector<5x1000xf32> to vector<1x5x1000xf32>
      tpu.vector_store %arg32[%swap3A_199, %swap3A_200, %swap3A_201], %swap3A_204 {strides = array<i32>} : memref<23x8x1000xf32, #tpu.memory_space<vmem>>, vector<1x5x1000xf32>,
      %slice3A_205 = vector.extract_strided_slice %dot_general3A_59 {offsets = [100, 0], sizes = [5, 1000], strides = [1, 1]} : vector<115x1000xf32> to vector<5x1000xf32>
      %swap3A_206 = arith.constant 20 : index
      %swap3A_207 = arith.constant 0 : index
      %swap3A_208 = arith.constant 0 : index
      %swap3A_209 = vector.load %arg32[%swap3A_206, %swap3A_207, %swap3A_208] : memref<23x8x1000xf32, #tpu.memory_space<vmem>>, vector<1x5x1000xf32>
      %swap3A_210 = vector.shape_cast %swap3A_209 : vector<1x5x1000xf32> to vector<5x1000xf32>
      %swap3A_211 = vector.shape_cast %slice3A_205 : vector<5x1000xf32> to vector<1x5x1000xf32>
      tpu.vector_store %arg32[%swap3A_206, %swap3A_207, %swap3A_208], %swap3A_211 {strides = array<i32>} : memref<23x8x1000xf32, #tpu.memory_space<vmem>>, vector<1x5x1000xf32>,
      %slice3A_212 = vector.extract_strided_slice %dot_general3A_59 {offsets = [105, 0], sizes = [5, 1000], strides = [1, 1]} : vector<115x1000xf32> to vector<5x1000xf32>
      %swap3A_213 = arith.constant 21 : index
      %swap3A_214 = arith.constant 0 : index
      %swap3A_215 = arith.constant 0 : index
      %swap3A_216 = vector.load %arg32[%swap3A_213, %swap3A_214, %swap3A_215] : memref<23x8x1000xf32, #tpu.memory_space<vmem>>, vector<1x5x1000xf32>
      %swap3A_217 = vector.shape_cast %swap3A_216 : vector<1x5x1000xf32> to vector<5x1000xf32>
      %swap3A_218 = vector.shape_cast %slice3A_212 : vector<5x1000xf32> to vector<1x5x1000xf32>
      tpu.vector_store %arg32[%swap3A_213, %swap3A_214, %swap3A_215], %swap3A_218 {strides = array<i32>} : memref<23x8x1000xf32, #tpu.memory_space<vmem>>, vector<1x5x1000xf32>,
      %slice3A_219 = vector.extract_strided_slice %dot_general3A_59 {offsets = [110, 0], sizes = [5, 1000], strides = [1, 1]} : vector<115x1000xf32> to vector<5x1000xf32>
      %swap3A_220 = arith.constant 22 : index
      %swap3A_221 = arith.constant 0 : index
      %swap3A_222 = arith.constant 0 : index
      %swap3A_223 = vector.load %arg32[%swap3A_220, %swap3A_221, %swap3A_222] : memref<23x8x1000xf32, #tpu.memory_space<vmem>>, vector<1x5x1000xf32>
      %swap3A_224 = vector.shape_cast %swap3A_223 : vector<1x5x1000xf32> to vector<5x1000xf32>
      %swap3A_225 = vector.shape_cast %slice3A_219 : vector<5x1000xf32> to vector<1x5x1000xf32>
      tpu.vector_store %arg32[%swap3A_220, %swap3A_221, %swap3A_222], %swap3A_225 {strides = array<i32>} : memref<23x8x1000xf32, #tpu.memory_space<vmem>>, vector<1x5x1000xf32>,
      %get3A_226 = arith.constant 0 : index
      %get3A_227 = arith.constant 0 : index
      %get3A_228 = vector.load %arg24[%get3A_226, %get3A_227] : memref<1x1000xf32, #tpu.memory_space<vmem>>, vector<1x1000xf32>
      %add3A_229 = vector.broadcast %get3A_228 : vector<1x1000xf32> to vector<245x1000xf32>
      %add3A_230 = arith.addf %dot_general3A_65, %add3A_229 : vector<245x1000xf32>
      %broadcast_in_dim3A_231 = arith.constant 0.000000e+00 : f32
      %broadcast_in_dim3A_232 = vector.broadcast %broadcast_in_dim3A_231 : f32 to vector<11x1000xf32>
      %concatenate3A = tpu.concatenate %add3A_230, %broadcast_in_dim3A_232 in 0 : vector<245x1000xf32>, vector<11x1000xf32> -> vector<256x1000xf32>
      %swap3A_233 = arith.constant 0 : index
      %swap3A_234 = arith.constant 0 : index
      %swap3A_235 = vector.load %arg33[%swap3A_233, %swap3A_234] : memref<256x1000xf32, #tpu.memory_space<vmem>>, vector<256x1000xf32>
      tpu.vector_store %arg33[%swap3A_233, %swap3A_234], %concatenate3A {strides = array<i32>} : memref<256x1000xf32, #tpu.memory_space<vmem>>, vector<256x1000xf32>,
      %get3A_236 = arith.constant 0 : index
      %get3A_237 = arith.constant 0 : index
      %get3A_238 = vector.load %arg11[%get3A_236, %get3A_237] : memref<128x512xf32, #tpu.memory_space<vmem>>, vector<128x512xf32>
      %get3A_239 = arith.constant 0 : index
      %get3A_240 = arith.constant 0 : index
      %get3A_241 = vector.load %arg12[%get3A_239, %get3A_240] : memref<512x800xf32, #tpu.memory_space<vmem>>, vector<512x800xf32>
      %dot_general3A_242 = arith.constant dense<0.000000e+00> : vector<128x800xf32>
      %dot_general3A_243 = tpu.matmul %get3A_238, %get3A_241, %dot_general3A_242 {dimension_numbers = #tpu.dot_dimension_numbers<[1], [0], [0], [1], [0, 0, 1, 1], [], []>, transpose_lhs_hint = false} : vector<128x512xf32>, vector<512x800xf32>, vector<128x800xf32> -> vector<128x800xf32>
      %get3A_244 = arith.constant 0 : index
      %get3A_245 = arith.constant 0 : index
      %get3A_246 = vector.load %arg13[%get3A_244, %get3A_245] : memref<1x800xf32, #tpu.memory_space<vmem>>, vector<1x800xf32>
      %add3A_247 = vector.broadcast %get3A_246 : vector<1x800xf32> to vector<128x800xf32>
      %add3A_248 = arith.addf %dot_general3A_243, %add3A_247 : vector<128x800xf32>
      %get3A_249 = arith.constant 0 : index
      %get3A_250 = arith.constant 0 : index
      %get3A_251 = vector.load %arg14[%get3A_249, %get3A_250] : memref<1x800xf32, #tpu.memory_space<vmem>>, vector<1x800xf32>
      %get3A_252 = arith.constant 0 : index
      %get3A_253 = arith.constant 0 : index
      %get3A_254 = vector.load %arg15[%get3A_252, %get3A_253] : memref<1x800xf32, #tpu.memory_space<vmem>>, vector<1x800xf32>
      %reduce_sum3A_255 = arith.constant dense<0.000000e+00> : vector<128xf32>
      %reduce_sum3A_256 = vector.multi_reduction <add>, %add3A_248, %reduce_sum3A_255 [1] : vector<128x800xf32> to vector<128xf32>
      %broadcast_in_dim3A_257 = vector.shape_cast %reduce_sum3A_256 : vector<128xf32> to vector<128x1xf32>
      %div3A_258 = arith.constant 8.000000e+02 : f32
      %div3A_259 = vector.broadcast %div3A_258 : f32 to vector<128x1xf32>
      %div3A_260 = arith.divf %broadcast_in_dim3A_257, %div3A_259 : vector<128x1xf32>
      %sub3A = vector.broadcast %div3A_260 : vector<128x1xf32> to vector<128x800xf32>
      %sub3A_261 = arith.subf %add3A_248, %sub3A : vector<128x800xf32>
      %mul3A = arith.mulf %sub3A_261, %sub3A_261 : vector<128x800xf32>
      %reduce_sum3A_262 = arith.constant dense<0.000000e+00> : vector<128xf32>
      %reduce_sum3A_263 = vector.multi_reduction <add>, %mul3A, %reduce_sum3A_262 [1] : vector<128x800xf32> to vector<128xf32>
      %broadcast_in_dim3A_264 = vector.shape_cast %reduce_sum3A_263 : vector<128xf32> to vector<128x1xf32>
      %div3A_265 = arith.constant 8.000000e+02 : f32
      %div3A_266 = vector.broadcast %div3A_265 : f32 to vector<128x1xf32>
      %div3A_267 = arith.divf %broadcast_in_dim3A_264, %div3A_266 : vector<128x1xf32>
      %add3A_268 = arith.constant 9.99999974E-6 : f32
      %add3A_269 = vector.broadcast %add3A_268 : f32 to vector<128x1xf32>
      %add3A_270 = arith.addf %div3A_267, %add3A_269 : vector<128x1xf32>
      %rsqrt3A = math.rsqrt %add3A_270 : vector<128x1xf32>
      %mul3A_271 = vector.broadcast %rsqrt3A : vector<128x1xf32> to vector<128x800xf32>
      %mul3A_272 = arith.mulf %sub3A_261, %mul3A_271 : vector<128x800xf32>
      %mul3A_273 = vector.broadcast %get3A_251 : vector<1x800xf32> to vector<128x800xf32>
      %mul3A_274 = arith.mulf %mul3A_272, %mul3A_273 : vector<128x800xf32>
      %add3A_275 = vector.broadcast %get3A_254 : vector<1x800xf32> to vector<128x800xf32>
      %add3A_276 = arith.addf %mul3A_274, %add3A_275 : vector<128x800xf32>
      %max3A_277 = arith.constant 0.000000e+00 : f32
      %max3A_278 = vector.broadcast %max3A_277 : f32 to vector<128x800xf32>
      %max3A_279 = arith.maximumf %add3A_276, %max3A_278 : vector<128x800xf32>
      %get3A_280 = arith.constant 0 : index
      %get3A_281 = arith.constant 0 : index
      %get3A_282 = vector.load %arg16[%get3A_280, %get3A_281] : memref<800x1000xf32, #tpu.memory_space<vmem>>, vector<800x1000xf32>
      %dot_general3A_283 = arith.constant dense<0.000000e+00> : vector<128x1000xf32>
      %dot_general3A_284 = tpu.matmul %max3A_279, %get3A_282, %dot_general3A_283 {dimension_numbers = #tpu.dot_dimension_numbers<[1], [0], [0], [1], [0, 0, 1, 1], [], []>, transpose_lhs_hint = false} : vector<128x800xf32>, vector<800x1000xf32>, vector<128x1000xf32> -> vector<128x1000xf32>
      %get3A_285 = arith.constant 0 : index
      %get3A_286 = arith.constant 0 : index
      %get3A_287 = vector.load %arg17[%get3A_285, %get3A_286] : memref<1x1000xf32, #tpu.memory_space<vmem>>, vector<1x1000xf32>
      %add3A_288 = vector.broadcast %get3A_287 : vector<1x1000xf32> to vector<128x1000xf32>
      %add3A_289 = arith.addf %dot_general3A_284, %add3A_288 : vector<128x1000xf32>
      %get3A_290 = arith.constant 0 : index
      %get3A_291 = arith.constant 0 : index
      %get3A_292 = vector.load %arg18[%get3A_290, %get3A_291] : memref<1x1000xf32, #tpu.memory_space<vmem>>, vector<1x1000xf32>
      %get3A_293 = arith.constant 0 : index
      %get3A_294 = arith.constant 0 : index
      %get3A_295 = vector.load %arg19[%get3A_293, %get3A_294] : memref<1x1000xf32, #tpu.memory_space<vmem>>, vector<1x1000xf32>
      %reduce_sum3A_296 = arith.constant dense<0.000000e+00> : vector<128xf32>
      %reduce_sum3A_297 = vector.multi_reduction <add>, %add3A_289, %reduce_sum3A_296 [1] : vector<128x1000xf32> to vector<128xf32>
      %broadcast_in_dim3A_298 = vector.shape_cast %reduce_sum3A_297 : vector<128xf32> to vector<128x1xf32>
      %div3A_299 = arith.constant 1.000000e+03 : f32
      %div3A_300 = vector.broadcast %div3A_299 : f32 to vector<128x1xf32>
      %div3A_301 = arith.divf %broadcast_in_dim3A_298, %div3A_300 : vector<128x1xf32>
      %sub3A_302 = vector.broadcast %div3A_301 : vector<128x1xf32> to vector<128x1000xf32>
      %sub3A_303 = arith.subf %add3A_289, %sub3A_302 : vector<128x1000xf32>
      %mul3A_304 = arith.mulf %sub3A_303, %sub3A_303 : vector<128x1000xf32>
      %reduce_sum3A_305 = arith.constant dense<0.000000e+00> : vector<128xf32>
      %reduce_sum3A_306 = vector.multi_reduction <add>, %mul3A_304, %reduce_sum3A_305 [1] : vector<128x1000xf32> to vector<128xf32>
      %broadcast_in_dim3A_307 = vector.shape_cast %reduce_sum3A_306 : vector<128xf32> to vector<128x1xf32>
      %div3A_308 = arith.constant 1.000000e+03 : f32
      %div3A_309 = vector.broadcast %div3A_308 : f32 to vector<128x1xf32>
      %div3A_310 = arith.divf %broadcast_in_dim3A_307, %div3A_309 : vector<128x1xf32>
      %add3A_311 = arith.constant 9.99999974E-6 : f32
      %add3A_312 = vector.broadcast %add3A_311 : f32 to vector<128x1xf32>
      %add3A_313 = arith.addf %div3A_310, %add3A_312 : vector<128x1xf32>
      %rsqrt3A_314 = math.rsqrt %add3A_313 : vector<128x1xf32>
      %mul3A_315 = vector.broadcast %rsqrt3A_314 : vector<128x1xf32> to vector<128x1000xf32>
      %mul3A_316 = arith.mulf %sub3A_303, %mul3A_315 : vector<128x1000xf32>
      %mul3A_317 = vector.broadcast %get3A_292 : vector<1x1000xf32> to vector<128x1000xf32>
      %mul3A_318 = arith.mulf %mul3A_316, %mul3A_317 : vector<128x1000xf32>
      %add3A_319 = vector.broadcast %get3A_295 : vector<1x1000xf32> to vector<128x1000xf32>
      %add3A_320 = arith.addf %mul3A_318, %add3A_319 : vector<128x1000xf32>
      %max3A_321 = arith.constant 0.000000e+00 : f32
      %max3A_322 = vector.broadcast %max3A_321 : f32 to vector<128x1000xf32>
      %max3A_323 = arith.maximumf %add3A_320, %max3A_322 : vector<128x1000xf32>
      %get3A_324 = arith.constant 0 : index
      %get3A_325 = arith.constant 0 : index
      %get3A_326 = vector.load %arg20[%get3A_324, %get3A_325] : memref<1000x800xf32, #tpu.memory_space<vmem>>, vector<1000x800xf32>
      %dot_general3A_327 = arith.constant dense<0.000000e+00> : vector<128x800xf32>
      %dot_general3A_328 = tpu.matmul %max3A_323, %get3A_326, %dot_general3A_327 {dimension_numbers = #tpu.dot_dimension_numbers<[1], [0], [0], [1], [0, 0, 1, 1], [], []>, transpose_lhs_hint = false} : vector<128x1000xf32>, vector<1000x800xf32>, vector<128x800xf32> -> vector<128x800xf32>
      %get3A_329 = arith.constant 0 : index
      %get3A_330 = arith.constant 0 : index
      %get3A_331 = vector.load %arg21[%get3A_329, %get3A_330] : memref<1x800xf32, #tpu.memory_space<vmem>>, vector<1x800xf32>
      %add3A_332 = vector.broadcast %get3A_331 : vector<1x800xf32> to vector<128x800xf32>
      %add3A_333 = arith.addf %dot_general3A_328, %add3A_332 : vector<128x800xf32>
      %get3A_334 = arith.constant 0 : index
      %get3A_335 = arith.constant 0 : index
      %get3A_336 = vector.load %arg22[%get3A_334, %get3A_335] : memref<1x800xf32, #tpu.memory_space<vmem>>, vector<1x800xf32>
      %get3A_337 = arith.constant 0 : index
      %get3A_338 = arith.constant 0 : index
      %get3A_339 = vector.load %arg23[%get3A_337, %get3A_338] : memref<1x800xf32, #tpu.memory_space<vmem>>, vector<1x800xf32>
      %reduce_sum3A_340 = arith.constant dense<0.000000e+00> : vector<128xf32>
      %reduce_sum3A_341 = vector.multi_reduction <add>, %add3A_333, %reduce_sum3A_340 [1] : vector<128x800xf32> to vector<128xf32>
      %broadcast_in_dim3A_342 = vector.shape_cast %reduce_sum3A_341 : vector<128xf32> to vector<128x1xf32>
      %div3A_343 = arith.constant 8.000000e+02 : f32
      %div3A_344 = vector.broadcast %div3A_343 : f32 to vector<128x1xf32>
      %div3A_345 = arith.divf %broadcast_in_dim3A_342, %div3A_344 : vector<128x1xf32>
      %sub3A_346 = vector.broadcast %div3A_345 : vector<128x1xf32> to vector<128x800xf32>
      %sub3A_347 = arith.subf %add3A_333, %sub3A_346 : vector<128x800xf32>
      %mul3A_348 = arith.mulf %sub3A_347, %sub3A_347 : vector<128x800xf32>
      %reduce_sum3A_349 = arith.constant dense<0.000000e+00> : vector<128xf32>
      %reduce_sum3A_350 = vector.multi_reduction <add>, %mul3A_348, %reduce_sum3A_349 [1] : vector<128x800xf32> to vector<128xf32>
      %broadcast_in_dim3A_351 = vector.shape_cast %reduce_sum3A_350 : vector<128xf32> to vector<128x1xf32>
      %div3A_352 = arith.constant 8.000000e+02 : f32
      %div3A_353 = vector.broadcast %div3A_352 : f32 to vector<128x1xf32>
      %div3A_354 = arith.divf %broadcast_in_dim3A_351, %div3A_353 : vector<128x1xf32>
      %add3A_355 = arith.constant 9.99999974E-6 : f32
      %add3A_356 = vector.broadcast %add3A_355 : f32 to vector<128x1xf32>
      %add3A_357 = arith.addf %div3A_354, %add3A_356 : vector<128x1xf32>
      %rsqrt3A_358 = math.rsqrt %add3A_357 : vector<128x1xf32>
      %mul3A_359 = vector.broadcast %rsqrt3A_358 : vector<128x1xf32> to vector<128x800xf32>
      %mul3A_360 = arith.mulf %sub3A_347, %mul3A_359 : vector<128x800xf32>
      %mul3A_361 = vector.broadcast %get3A_336 : vector<1x800xf32> to vector<128x800xf32>
      %mul3A_362 = arith.mulf %mul3A_360, %mul3A_361 : vector<128x800xf32>
      %add3A_363 = vector.broadcast %get3A_339 : vector<1x800xf32> to vector<128x800xf32>
      %add3A_364 = arith.addf %mul3A_362, %add3A_363 : vector<128x800xf32>
      %swap3A_365 = arith.constant 0 : index
      %swap3A_366 = arith.constant 0 : index
      %swap3A_367 = vector.load %arg34[%swap3A_365, %swap3A_366] : memref<128x800xf32, #tpu.memory_space<vmem>>, vector<128x800xf32>
      tpu.vector_store %arg34[%swap3A_365, %swap3A_366], %add3A_364 {strides = array<i32>} : memref<128x800xf32, #tpu.memory_space<vmem>>, vector<128x800xf32>,
    } else {
    }
    %gt3A = arith.constant 0 : i32
    %gt3A_2 = arith.cmpi sgt, %arg0, %gt3A : i32
    %convert_element_type3A_3 = arith.extui %gt3A_2 : i1 to i32
    %cond3A_4 = arith.constant 0 : i32
    %cond3A_5 = arith.cmpi ne, %convert_element_type3A_3, %cond3A_4 : i32
    scf.if %cond3A_5 {
      %sub3A = arith.constant 1 : i32
      %sub3A_6 = arith.subi %arg0, %sub3A : i32
      %get3A = arith.constant 0 : index
      %get3A_7 = arith.constant 0 : index
      %get3A_8 = vector.load %arg33[%get3A, %get3A_7] : memref<256x1000xf32, #tpu.memory_space<vmem>>, vector<256x1000xf32>
      %get3A_9 = arith.index_cast %sub3A_6 : i32 to index
      %get3A_10 = arith.constant 0 : index
      %get3A_11 = arith.constant 0 : index
      %get3A_12 = vector.load %arg32[%get3A_9, %get3A_10, %get3A_11] : memref<23x8x1000xf32, #tpu.memory_space<vmem>>, vector<1x5x1000xf32>
      %get3A_13 = vector.shape_cast %get3A_12 : vector<1x5x1000xf32> to vector<5x1000xf32>
      %slice3A = vector.extract_strided_slice %get3A_13 {offsets = [0, 0], sizes = [1, 1000], strides = [1, 1]} : vector<5x1000xf32> to vector<1x1000xf32>
      %add3A = vector.broadcast %slice3A : vector<1x1000xf32> to vector<256x1000xf32>
      %add3A_14 = arith.addf %get3A_8, %add3A : vector<256x1000xf32>
      %slice3A_15 = vector.extract_strided_slice %get3A_13 {offsets = [1, 0], sizes = [1, 1000], strides = [1, 1]} : vector<5x1000xf32> to vector<1x1000xf32>
      %add3A_16 = vector.broadcast %slice3A_15 : vector<1x1000xf32> to vector<256x1000xf32>
      %add3A_17 = arith.addf %get3A_8, %add3A_16 : vector<256x1000xf32>
      %slice3A_18 = vector.extract_strided_slice %get3A_13 {offsets = [2, 0], sizes = [1, 1000], strides = [1, 1]} : vector<5x1000xf32> to vector<1x1000xf32>
      %add3A_19 = vector.broadcast %slice3A_18 : vector<1x1000xf32> to vector<256x1000xf32>
      %add3A_20 = arith.addf %get3A_8, %add3A_19 : vector<256x1000xf32>
      %slice3A_21 = vector.extract_strided_slice %get3A_13 {offsets = [3, 0], sizes = [1, 1000], strides = [1, 1]} : vector<5x1000xf32> to vector<1x1000xf32>
      %add3A_22 = vector.broadcast %slice3A_21 : vector<1x1000xf32> to vector<256x1000xf32>
      %add3A_23 = arith.addf %get3A_8, %add3A_22 : vector<256x1000xf32>
      %slice3A_24 = vector.extract_strided_slice %get3A_13 {offsets = [4, 0], sizes = [1, 1000], strides = [1, 1]} : vector<5x1000xf32> to vector<1x1000xf32>
      %add3A_25 = vector.broadcast %slice3A_24 : vector<1x1000xf32> to vector<256x1000xf32>
      %add3A_26 = arith.addf %get3A_8, %add3A_25 : vector<256x1000xf32>
      %concatenate3A = tpu.concatenate %add3A_14, %add3A_17, %add3A_20, %add3A_23, %add3A_26 in 0 : vector<256x1000xf32>, vector<256x1000xf32>, vector<256x1000xf32>, vector<256x1000xf32>, vector<256x1000xf32> -> vector<1280x1000xf32>
      %get3A_27 = arith.constant 0 : index
      %get3A_28 = arith.constant 0 : index
      %get3A_29 = vector.load %arg25[%get3A_27, %get3A_28] : memref<1x1000xf32, #tpu.memory_space<vmem>>, vector<1x1000xf32>
      %get3A_30 = arith.constant 0 : index
      %get3A_31 = arith.constant 0 : index
      %get3A_32 = vector.load %arg26[%get3A_30, %get3A_31] : memref<1x1000xf32, #tpu.memory_space<vmem>>, vector<1x1000xf32>
      %reduce_sum3A = arith.constant dense<0.000000e+00> : vector<1280xf32>
      %reduce_sum3A_33 = vector.multi_reduction <add>, %concatenate3A, %reduce_sum3A [1] : vector<1280x1000xf32> to vector<1280xf32>
      %broadcast_in_dim3A = vector.shape_cast %reduce_sum3A_33 : vector<1280xf32> to vector<1280x1xf32>
      %div3A = arith.constant 1.000000e+03 : f32
      %div3A_34 = vector.broadcast %div3A : f32 to vector<1280x1xf32>
      %div3A_35 = arith.divf %broadcast_in_dim3A, %div3A_34 : vector<1280x1xf32>
      %sub3A_36 = vector.broadcast %div3A_35 : vector<1280x1xf32> to vector<1280x1000xf32>
      %sub3A_37 = arith.subf %concatenate3A, %sub3A_36 : vector<1280x1000xf32>
      %mul3A = arith.mulf %sub3A_37, %sub3A_37 : vector<1280x1000xf32>
      %reduce_sum3A_38 = arith.constant dense<0.000000e+00> : vector<1280xf32>
      %reduce_sum3A_39 = vector.multi_reduction <add>, %mul3A, %reduce_sum3A_38 [1] : vector<1280x1000xf32> to vector<1280xf32>
      %broadcast_in_dim3A_40 = vector.shape_cast %reduce_sum3A_39 : vector<1280xf32> to vector<1280x1xf32>
      %div3A_41 = arith.constant 1.000000e+03 : f32
      %div3A_42 = vector.broadcast %div3A_41 : f32 to vector<1280x1xf32>
      %div3A_43 = arith.divf %broadcast_in_dim3A_40, %div3A_42 : vector<1280x1xf32>
      %add3A_44 = arith.constant 9.99999974E-6 : f32
      %add3A_45 = vector.broadcast %add3A_44 : f32 to vector<1280x1xf32>
      %add3A_46 = arith.addf %div3A_43, %add3A_45 : vector<1280x1xf32>
      %rsqrt3A = math.rsqrt %add3A_46 : vector<1280x1xf32>
      %mul3A_47 = vector.broadcast %rsqrt3A : vector<1280x1xf32> to vector<1280x1000xf32>
      %mul3A_48 = arith.mulf %sub3A_37, %mul3A_47 : vector<1280x1000xf32>
      %mul3A_49 = vector.broadcast %get3A_29 : vector<1x1000xf32> to vector<1280x1000xf32>
      %mul3A_50 = arith.mulf %mul3A_48, %mul3A_49 : vector<1280x1000xf32>
      %add3A_51 = vector.broadcast %get3A_32 : vector<1x1000xf32> to vector<1280x1000xf32>
      %add3A_52 = arith.addf %mul3A_50, %add3A_51 : vector<1280x1000xf32>
      %max3A = arith.constant 0.000000e+00 : f32
      %max3A_53 = vector.broadcast %max3A : f32 to vector<1280x1000xf32>
      %max3A_54 = arith.maximumf %add3A_52, %max3A_53 : vector<1280x1000xf32>
      %convert_element_type3A_55 = arith.truncf %max3A_54 : vector<1280x1000xf32> to vector<1280x1000xbf16>
      %get3A_56 = arith.constant 0 : index
      %get3A_57 = arith.constant 0 : index
      %get3A_58 = vector.load %arg27[%get3A_56, %get3A_57] : memref<1000x800xf32, #tpu.memory_space<vmem>>, vector<1000x800xf32>
      %convert_element_type3A_59 = arith.truncf %get3A_58 : vector<1000x800xf32> to vector<1000x800xbf16>
      %dot_general3A = arith.constant dense<0.000000e+00> : vector<1280x800xf32>
      %dot_general3A_60 = tpu.matmul %convert_element_type3A_55, %convert_element_type3A_59, %dot_general3A {dimension_numbers = #tpu.dot_dimension_numbers<[1], [0], [0], [1], [0, 0, 1, 1], [], []>, transpose_lhs_hint = false} : vector<1280x1000xbf16>, vector<1000x800xbf16>, vector<1280x800xf32> -> vector<1280x800xf32>
      %get3A_61 = arith.constant 0 : index
      %get3A_62 = arith.constant 0 : index
      %get3A_63 = vector.load %arg28[%get3A_61, %get3A_62] : memref<1x800xf32, #tpu.memory_space<vmem>>, vector<1x800xf32>
      %add3A_64 = vector.broadcast %get3A_63 : vector<1x800xf32> to vector<1280x800xf32>
      %add3A_65 = arith.addf %dot_general3A_60, %add3A_64 : vector<1280x800xf32>
      %get3A_66 = arith.constant 0 : index
      %get3A_67 = arith.constant 0 : index
      %get3A_68 = vector.load %arg29[%get3A_66, %get3A_67] : memref<1x800xf32, #tpu.memory_space<vmem>>, vector<1x800xf32>
      %get3A_69 = arith.constant 0 : index
      %get3A_70 = arith.constant 0 : index
      %get3A_71 = vector.load %arg30[%get3A_69, %get3A_70] : memref<1x800xf32, #tpu.memory_space<vmem>>, vector<1x800xf32>
      %reduce_sum3A_72 = arith.constant dense<0.000000e+00> : vector<1280xf32>
      %reduce_sum3A_73 = vector.multi_reduction <add>, %add3A_65, %reduce_sum3A_72 [1] : vector<1280x800xf32> to vector<1280xf32>
      %broadcast_in_dim3A_74 = vector.shape_cast %reduce_sum3A_73 : vector<1280xf32> to vector<1280x1xf32>
      %div3A_75 = arith.constant 8.000000e+02 : f32
      %div3A_76 = vector.broadcast %div3A_75 : f32 to vector<1280x1xf32>
      %div3A_77 = arith.divf %broadcast_in_dim3A_74, %div3A_76 : vector<1280x1xf32>
      %sub3A_78 = vector.broadcast %div3A_77 : vector<1280x1xf32> to vector<1280x800xf32>
      %sub3A_79 = arith.subf %add3A_65, %sub3A_78 : vector<1280x800xf32>
      %mul3A_80 = arith.mulf %sub3A_79, %sub3A_79 : vector<1280x800xf32>
      %reduce_sum3A_81 = arith.constant dense<0.000000e+00> : vector<1280xf32>
      %reduce_sum3A_82 = vector.multi_reduction <add>, %mul3A_80, %reduce_sum3A_81 [1] : vector<1280x800xf32> to vector<1280xf32>
      %broadcast_in_dim3A_83 = vector.shape_cast %reduce_sum3A_82 : vector<1280xf32> to vector<1280x1xf32>
      %div3A_84 = arith.constant 8.000000e+02 : f32
      %div3A_85 = vector.broadcast %div3A_84 : f32 to vector<1280x1xf32>
      %div3A_86 = arith.divf %broadcast_in_dim3A_83, %div3A_85 : vector<1280x1xf32>
      %add3A_87 = arith.constant 9.99999974E-6 : f32
      %add3A_88 = vector.broadcast %add3A_87 : f32 to vector<1280x1xf32>
      %add3A_89 = arith.addf %div3A_86, %add3A_88 : vector<1280x1xf32>
      %rsqrt3A_90 = math.rsqrt %add3A_89 : vector<1280x1xf32>
      %mul3A_91 = vector.broadcast %rsqrt3A_90 : vector<1280x1xf32> to vector<1280x800xf32>
      %mul3A_92 = arith.mulf %sub3A_79, %mul3A_91 : vector<1280x800xf32>
      %mul3A_93 = vector.broadcast %get3A_68 : vector<1x800xf32> to vector<1280x800xf32>
      %mul3A_94 = arith.mulf %mul3A_92, %mul3A_93 : vector<1280x800xf32>
      %add3A_95 = vector.broadcast %get3A_71 : vector<1x800xf32> to vector<1280x800xf32>
      %add3A_96 = arith.addf %mul3A_94, %add3A_95 : vector<1280x800xf32>
      %get3A_97 = arith.constant 0 : index
      %get3A_98 = arith.constant 0 : index
      %get3A_99 = vector.load %arg34[%get3A_97, %get3A_98] : memref<128x800xf32, #tpu.memory_space<vmem>>, vector<128x800xf32>
      %convert_element_type3A_100 = arith.truncf %get3A_99 : vector<128x800xf32> to vector<128x800xbf16>
      %convert_element_type3A_101 = arith.truncf %add3A_96 : vector<1280x800xf32> to vector<1280x800xbf16>
      %dot_general3A_102 = arith.constant dense<0.000000e+00> : vector<128x1280xf32>
      %dot_general3A_103 = tpu.matmul %convert_element_type3A_100, %convert_element_type3A_101, %dot_general3A_102 {dimension_numbers = #tpu.dot_dimension_numbers<[1], [1], [0], [0], [0, 0, 1, 0], [], []>, transpose_lhs_hint = false} : vector<128x800xbf16>, vector<1280x800xbf16>, vector<128x1280xf32> -> vector<128x1280xf32>
      %swap3A = arith.constant 0 : index
      %swap3A_104 = arith.constant 0 : index
      %swap3A_105 = vector.load %arg31[%swap3A, %swap3A_104] : memref<128x1280xf32, #tpu.memory_space<vmem>>, vector<128x1280xf32>
      tpu.vector_store %arg31[%swap3A, %swap3A_104], %dot_general3A_103 {strides = array<i32>} : memref<128x1280xf32, #tpu.memory_space<vmem>>, vector<128x1280xf32>,
    } else {
    }
    return
  }
  func.func @transform_0(%arg0: i32) -> (i32, i32, i32) {
    %c0_i32 = arith.constant 0 : i32
    %c0_i32_0 = arith.constant 0 : i32
    %c0_i32_1 = arith.constant 0 : i32
    %c0_i32_2 = arith.constant 0 : i32
    return %c0_i32, %c0_i32_0, %c0_i32_1 : i32, i32, i32
  }
  func.func @transform_1(%arg0: i32) -> (i32, i32) {
    %c0_i32 = arith.constant 0 : i32
    %c0_i32_0 = arith.constant 0 : i32
    %c0_i32_1 = arith.constant 0 : i32
    return %c0_i32, %c0_i32_0 : i32, i32
  }
  func.func @transform_2(%arg0: i32) -> (i32, i32) {
    %c0_i32 = arith.constant 0 : i32
    %c0_i32_0 = arith.constant 0 : i32
    %c0_i32_1 = arith.constant 0 : i32
    return %c0_i32, %c0_i32_0 : i32, i32
  }
  func.func @transform_3(%arg0: i32) -> (i32, i32) {
    %c0_i32 = arith.constant 0 : i32
    %c0_i32_0 = arith.constant 0 : i32
    %c0_i32_1 = arith.constant 0 : i32
    return %c0_i32, %c0_i32_0 : i32, i32
  }
  func.func @transform_4(%arg0: i32) -> (i32, i32) {
    %c0_i32 = arith.constant 0 : i32
    %c0_i32_0 = arith.constant 0 : i32
    %c0_i32_1 = arith.constant 0 : i32
    return %c0_i32, %c0_i32_0 : i32, i32
  }
  func.func @transform_5(%arg0: i32) -> (i32, i32) {
    %c0_i32 = arith.constant 0 : i32
    %c0_i32_0 = arith.constant 0 : i32
    %c0_i32_1 = arith.constant 0 : i32
    return %c0_i32, %c0_i32_0 : i32, i32
  }
  func.func @transform_6(%arg0: i32) -> (i32, i32) {
    %c0_i32 = arith.constant 0 : i32
    %c0_i32_0 = arith.constant 0 : i32
    %c0_i32_1 = arith.constant 0 : i32
    return %c0_i32, %c0_i32_0 : i32, i32
  }
  func.func @transform_7(%arg0: i32) -> (i32, i32) {
    %c0_i32 = arith.constant 0 : i32
    %c0_i32_0 = arith.constant 0 : i32
    %c0_i32_1 = arith.constant 0 : i32
    return %c0_i32, %c0_i32_0 : i32, i32
  }
  func.func @transform_8(%arg0: i32) -> (i32, i32) {
    %c0_i32 = arith.constant 0 : i32
    %c0_i32_0 = arith.constant 0 : i32
    %c0_i32_1 = arith.constant 0 : i32
    return %c0_i32, %c0_i32_0 : i32, i32
  }
  func.func @transform_9(%arg0: i32) -> (i32, i32) {
    %c0_i32 = arith.constant 0 : i32
    %c0_i32_0 = arith.constant 0 : i32
    %c0_i32_1 = arith.constant 0 : i32
    return %c0_i32, %c0_i32_0 : i32, i32
  }
  func.func @transform_10(%arg0: i32) -> (i32, i32) {
    %c0_i32 = arith.constant 0 : i32
    %c0_i32_0 = arith.constant 0 : i32
    %c0_i32_1 = arith.constant 0 : i32
    return %c0_i32, %c0_i32_0 : i32, i32
  }
  func.func @transform_11(%arg0: i32) -> (i32, i32) {
    %c0_i32 = arith.constant 0 : i32
    %c0_i32_0 = arith.constant 0 : i32
    %c0_i32_1 = arith.constant 0 : i32
    return %c0_i32, %c0_i32_0 : i32, i32
  }
  func.func @transform_12(%arg0: i32) -> (i32, i32) {
    %c0_i32 = arith.constant 0 : i32
    %c0_i32_0 = arith.constant 0 : i32
    %c0_i32_1 = arith.constant 0 : i32
    return %c0_i32, %c0_i32_0 : i32, i32
  }
  func.func @transform_13(%arg0: i32) -> (i32, i32) {
    %c0_i32 = arith.constant 0 : i32
    %c0_i32_0 = arith.constant 0 : i32
    %c0_i32_1 = arith.constant 0 : i32
    return %c0_i32, %c0_i32_0 : i32, i32
  }
  func.func @transform_14(%arg0: i32) -> (i32, i32) {
    %c0_i32 = arith.constant 0 : i32
    %c0_i32_0 = arith.constant 0 : i32
    %c0_i32_1 = arith.constant 0 : i32
    return %c0_i32, %c0_i32_0 : i32, i32
  }
  func.func @transform_15(%arg0: i32) -> (i32, i32) {
    %c0_i32 = arith.constant 0 : i32
    %c0_i32_0 = arith.constant 0 : i32
    %c0_i32_1 = arith.constant 0 : i32
    return %c0_i32, %c0_i32_0 : i32, i32
  }
  func.func @transform_16(%arg0: i32) -> (i32, i32) {
    %c0_i32 = arith.constant 0 : i32
    %c0_i32_0 = arith.constant 0 : i32
    %c0_i32_1 = arith.constant 0 : i32
    return %c0_i32, %c0_i32_0 : i32, i32
  }
  func.func @transform_17(%arg0: i32) -> (i32, i32) {
    %c0_i32 = arith.constant 0 : i32
    %c0_i32_0 = arith.constant 0 : i32
    %c0_i32_1 = arith.constant 0 : i32
    return %c0_i32, %c0_i32_0 : i32, i32
  }
  func.func @transform_18(%arg0: i32) -> (i32, i32) {
    %c0_i32 = arith.constant 0 : i32
    %c0_i32_0 = arith.constant 0 : i32
    %c0_i32_1 = arith.constant 0 : i32
    return %c0_i32, %c0_i32_0 : i32, i32
  }
  func.func @transform_19(%arg0: i32) -> (i32, i32) {
    %c0_i32 = arith.constant 0 : i32
    %c0_i32_0 = arith.constant 0 : i32
    %c0_i32_1 = arith.constant 0 : i32
    return %c0_i32, %c0_i32_0 : i32, i32
  }
  func.func @transform_20(%arg0: i32) -> (i32, i32) {
    %c0_i32 = arith.constant 0 : i32
    %c0_i32_0 = arith.constant 0 : i32
    %c0_i32_1 = arith.constant 0 : i32
    return %c0_i32, %c0_i32_0 : i32, i32
  }
  func.func @transform_21(%arg0: i32) -> (i32, i32) {
    %c0_i32 = arith.constant 0 : i32
    %c0_i32_0 = arith.constant 0 : i32
    %c0_i32_1 = arith.constant 0 : i32
    return %c0_i32, %c0_i32_0 : i32, i32
  }
  func.func @transform_22(%arg0: i32) -> (i32, i32) {
    %c0_i32 = arith.constant 0 : i32
    %c0_i32_0 = arith.constant 0 : i32
    %c0_i32_1 = arith.constant 0 : i32
    return %c0_i32, %c0_i32_0 : i32, i32
  }
  func.func @transform_23(%arg0: i32) -> (i32, i32) {
    %c0_i32 = arith.constant 0 : i32
    %c0_i32_0 = arith.constant 0 : i32
    %c0_i32_1 = arith.constant 0 : i32
    return %c0_i32, %c0_i32_0 : i32, i32
  }
  func.func @transform_24(%arg0: i32) -> (i32, i32) {
    %c0_i32 = arith.constant 0 : i32
    %c0_i32_0 = arith.constant 0 : i32
    %c0_i32_1 = arith.constant 0 : i32
    return %c0_i32, %c0_i32_0 : i32, i32
  }
  func.func @transform_25(%arg0: i32) -> (i32, i32) {
    %c0_i32 = arith.constant 0 : i32
    %c0_i32_0 = arith.constant 0 : i32
    %c0_i32_1 = arith.constant 0 : i32
    return %c0_i32, %c0_i32_0 : i32, i32
  }
  func.func @transform_26(%arg0: i32) -> (i32, i32) {
    %c0_i32 = arith.constant 0 : i32
    %c0_i32_0 = arith.constant 0 : i32
    %c0_i32_1 = arith.constant 0 : i32
    return %c0_i32, %c0_i32_0 : i32, i32
  }
  func.func @transform_27(%arg0: i32) -> (i32, i32) {
    %c0_i32 = arith.constant 0 : i32
    %c0_i32_0 = arith.constant 0 : i32
    %c0_i32_1 = arith.constant 0 : i32
    return %c0_i32, %c0_i32_0 : i32, i32
  }
  func.func @transform_28(%arg0: i32) -> (i32, i32) {
    %c0_i32 = arith.constant 0 : i32
    %c0_i32_0 = arith.constant 0 : i32
    %c0_i32_1 = arith.constant 0 : i32
    return %c0_i32, %c0_i32_0 : i32, i32
  }
  func.func @transform_29(%arg0: i32) -> (i32, i32) {
    %c0_i32 = arith.constant 0 : i32
    %c0_i32_0 = arith.constant 0 : i32
    %c0_i32_1 = arith.constant 0 : i32
    return %c0_i32, %c0_i32_0 : i32, i32
  }
  func.func @transform_30(%arg0: i32) -> (i32, i32) {
    %sub3A = arith.constant 1 : i32
    %sub3A_0 = arith.subi %arg0, %sub3A : i32
    %max3A = arith.constant 0 : i32
    %max3A_1 = arith.maxsi %sub3A_0, %max3A : i32
    %c0_i32 = arith.constant 0 : i32
    %c0_i32_2 = arith.constant 0 : i32
    return %c0_i32, %max3A_1 : i32, i32
  }
}

</mosaic_0001>

<sc_bundles>
// kernel: kernel.4.cloned.1.call-start
scs
__scs_entry_jumppad:
0x0: {  	(pc) =	sbr.rel $0x88, $3  }
0x1: {  	(tag) =	ssettag $0x0;
	lr =	simm.s32 $0x1  }
0x2: {  	[smem:$0x3F84] =	sst lr;
	_ =	strace $0xD0000000  }
0x3: {  	_ = 	snop  }
0x4: {  	_ = 	snop  }
0x5: {  	_ = 	snop  }
0x6: {  	_ = 	snop  }
0x7: {  	_ = 	snop  }
__scs_overlays_trampoline_lowered:
0x8: {  	[smem:$0x3F93] =	sst s0  }
0x9: {  	[smem:$0x3F94] =	sst s1  }
0xa: {  	[smem:$0x3F95] =	sst s2  }
0xb: {  	[smem:$0x3F96] =	sst s3  }
0xc: {  	[smem:$0x3F97] =	sst s4  }
0xd: {  	[smem:$0x3F98] =	sst s5  }
0xe: {  	[smem:$0x3F99] =	sst s6  }
0xf: {  	[smem:$0x3F9A] =	sst s7  }
0x10: {  	[smem:$0x3F9B] =	sst s8  }
0x11: {  	[smem:$0x3F9C] =	sst s9;
	s0 =	simm.s32 @!p0 $0x0  }
0x12: {  	s1 =	sld [smem:$0x3F82];
	s0 =	simm.s32 @p0 $0x1  }
0x13: {  	[smem:$0x3F9D] =	sst s0;
	s0 =	simm.s32 @!p1 $0x0  }
0x14: {  	s2 =	sld [smem:$0x3F81];
	s0 =	simm.s32 @p1 $0x1  }
0x15: {  	[smem:$0x3F9E] =	sst s0;
	s0 =	simm.s32 @!p2 $0x0  }
0x16: {  	s3 =	sld [smem:$0x3FDB];
	s0 =	simm.s32 @p2 $0x1  }
0x17: {  	s4 =	simm.s32 $0x1BF5;
	[smem:$0x3FA0] =	sst s0  }
0x18: {  	s0 =	sld [smem:$0x3F83];
	_ =	swait.ge [sflag:s4], $0x0  }
0x19: {  	s7 =	sld [smem:$0x3F84]  }
0x1a: {  	s8 =	sadd.s32 $0xFFFFE003, lr  }
0x1b: {  	s9 =	sadd.s32 $0xFFFFFEF7, lr;
	s5 =	simm.s32 $0xFFFFFFFF;
	p2 =	slt.u32 s8, $0xFFFFF086  }
0x1c: {  	p1 =	slt.u32 s9, $0xF7A;
	s5 =	simm.s32 @!p2 $0x0  }
0x1d: {  	s5 =	simm.s32 @p1 $0x1;
	p0 =	seq.s32 s7, s2  }
0x1e: {  	s7 =	smul.u32 @!p0 $0xF7A, s2;
	p2 =	seq.s32 @!p0 s5, $0x0  }
0x1f: {  	s9 =	smul.u32 $0xF7A, s1;
	s8 =	simm.s32 @!p0 $0x1BF5;
	p2 =	por !p2, p0  }
0x20: {  	[sflag:s8] =	ssyncset.s32 @!p0 $0xFFFFF086;
	s6 =	sadd.s32 @!p0 s3, s7;
	s7 =	simm.s32 @!p0 $0x108  }
0x21: {  	s3 =	sadd.s32 s3, s9;
	s6 =	sadd.s32 @!p0 $0x88, s6;
	s7 =	simm.s32 @p2 $0x1082  }
0x22: {  	[simem:s7], [sflag:s8] =	dma.local @!p0 [hbm:s6], $0xF7A  }
0x23: {  	s9 =	sor.u32 $0xD0000000, s2;
	s6 =	simm.s32 $0x108;
	_ =	swait.ge @!p0 [sflag:s8], $0x0  }
0x24: {  	s3 =	sadd.s32 $0x88, s3;
	s6 =	simm.s32 @!p1 $0x1082;
	[sflag:s4] =	ssyncset.s32 $0xFFFFF086  }
0x25: {  	[simem:s6], [sflag:s4] =	dma.local [hbm:s3], $0xF7A  }
0x26: {  	[smem:$0x3F84] =	sst s1;
	(tag) =	ssettag s2;
	_ =	strace s9  }
0x27: {  	s1 =	sld [smem:$0x3F94]  }
0x28: {  	s2 =	sld [smem:$0x3F95]  }
0x29: {  	s4 =	sld [smem:$0x3F97]  }
0x2a: {  	p0 =	seq.s32 s5, $0x0;
	s5 =	sld [smem:$0x3F98]  }
0x2b: {  	s6 =	sld [smem:$0x3F99]  }
0x2c: {  	s7 =	sld [smem:$0x3F9A]  }
0x2d: {  	s3 =	simm.s32 $0x108;
	s8 =	sld [smem:$0x3F9B]  }
0x2e: {  	s3 =	simm.s32 @!p0 $0x1082;
	s9 =	sld [smem:$0x3F9C]  }
0x2f: {  	lr =	sadd.s32 s0, s3;
	s0 =	sld [smem:$0x3F93]  }
0x30: {  	s3 =	sld [smem:$0x3F96]  }
0x31: {  	[smem:$0x3F9F] =	sst s10  }
0x32: {  	s10 =	sld [smem:$0x3F9D];
	_ =	sdelay $0x3  }
0x33: {  	p0 =	seq.s32 s10, $0x1;
	s10 =	sld [smem:$0x3F9F];
	_ =	sdelay $0x3  }
0x34: {  	[smem:$0x3F9F] =	sst s10  }
0x35: {  	s10 =	sld [smem:$0x3F9E];
	_ =	sdelay $0x3  }
0x36: {  	p1 =	seq.s32 s10, $0x1;
	s10 =	sld [smem:$0x3F9F];
	_ =	sdelay $0x3  }
0x37: {  	[smem:$0x3F9F] =	sst s10  }
0x38: {  	s10 =	sld [smem:$0x3FA0]  }
0x39: {  	_ = 	snop;
	(pc) =	sbr.ind lr, $3  }
0x3a: {  	_ = 	snop  }
0x3b: {  	_ = 	snop  }
0x3c: {  	p2 =	seq.s32 s10, $0x1;
	s10 =	sld [smem:$0x3F9F]  }
0x3d: {  	_ =	shalt  }
0x3e: {  	_ =	shalt  }
0x3f: {  	_ =	shalt  }
0x40: {  	_ =	shalt  }
0x41: {  	_ =	shalt  }
0x42: {  	_ =	shalt  }
0x43: {  	_ =	shalt  }
0x44: {  	_ =	shalt  }
0x45: {  	_ =	shalt  }
0x46: {  	_ =	shalt  }
0x47: {  	_ =	shalt  }
0x48: {  	_ =	shalt  }
0x49: {  	_ =	shalt  }
0x4a: {  	_ =	shalt  }
0x4b: {  	_ =	shalt  }
0x4c: {  	_ =	shalt  }
0x4d: {  	_ =	shalt  }
0x4e: {  	_ =	shalt  }
0x4f: {  	_ =	shalt  }
0x50: {  	_ =	shalt  }
0x51: {  	_ =	shalt  }
0x52: {  	_ =	shalt  }
0x53: {  	_ =	shalt  }
0x54: {  	_ =	shalt  }
0x55: {  	_ =	shalt  }
0x56: {  	_ =	shalt  }
0x57: {  	_ =	shalt  }
0x58: {  	_ =	shalt  }
0x59: {  	_ =	shalt  }
0x5a: {  	_ =	shalt  }
0x5b: {  	_ =	shalt  }
0x5c: {  	_ =	shalt  }
0x5d: {  	_ =	shalt  }
0x5e: {  	_ =	shalt  }
0x5f: {  	_ =	shalt  }
0x60: {  	_ =	shalt  }
0x61: {  	_ =	shalt  }
0x62: {  	_ =	shalt  }
0x63: {  	_ =	shalt  }
0x64: {  	_ =	shalt  }
0x65: {  	_ =	shalt  }
0x66: {  	_ =	shalt  }
0x67: {  	_ =	shalt  }
0x68: {  	_ =	shalt  }
0x69: {  	_ =	shalt  }
0x6a: {  	_ =	shalt  }
0x6b: {  	_ =	shalt  }
0x6c: {  	_ =	shalt  }
0x6d: {  	_ =	shalt  }
0x6e: {  	_ =	shalt  }
0x6f: {  	_ =	shalt  }
0x70: {  	_ =	shalt  }
0x71: {  	_ =	shalt  }
0x72: {  	_ =	shalt  }
0x73: {  	_ =	shalt  }
0x74: {  	_ =	shalt  }
0x75: {  	_ =	shalt  }
0x76: {  	_ =	shalt  }
0x77: {  	_ =	shalt  }
0x78: {  	_ =	shalt  }
0x79: {  	_ =	shalt  }
0x7a: {  	_ =	shalt  }
0x7b: {  	_ =	shalt  }
0x7c: {  	_ =	shalt  }
0x7d: {  	_ =	shalt  }
0x7e: {  	_ =	shalt  }
0x7f: {  	_ =	shalt  }
0x80: {  	_ =	shalt  }
0x81: {  	_ =	shalt  }
0x82: {  	_ =	shalt  }
0x83: {  	_ =	shalt  }
0x84: {  	_ =	shalt  }
0x85: {  	_ =	shalt  }
0x86: {  	_ =	shalt  }
0x87: {  	_ =	shalt  }
.Lfunc_end0:
.L_simem_size_0:
called_computation_lowered:
.L_overlay_start_0:
0x88: {  	s2 =	sld [smem:$0x3FD9]  }
0x89: {  	s3 =	sld [smem:$0x3FFE];
	_ =	sdelay $0x1  }
0x8a: {  	s1 =	srdreg.scid  }
0x8b: {  	s0 =	sand.u32 $0x1, s1  }
0x8c: {  	s17 =	sshll.u32 s0, $0xA;
	s2 =	sadd.s32 s3, s2  }
0x8d: {  	s2 =	sadd.s32 s2, s17  }
0x8e: {  	[smem:$0x3FAB] =	sst s2  }
0x8f: {  	_ = 	snop  }
0x90: {  	s2 =	sld [smem:$0x3FD0];
	(tm) =	ssettm $0x1  }
0x91: {  	s18 =	sld [smem:$0x3FFB];
	_ =	sdelay $0x3  }
0x92: {  	_ =	strace s18  }
0x93: {  	s3 =	sld [smem:$0x3FFC];
	_ =	sdelay $0x3  }
0x94: {  	_ =	strace s3  }
0x95: {  	s3 =	sld [smem:$0x3FFD];
	_ =	sdelay $0x3  }
0x96: {  	_ =	strace s3  }
0x97: {  	_ =	strace $0x8FFFFFFF  }
0x98: {  	s19 =	sld [smem:$0x3FDB];
	_ =	sdelay $0x1  }
0x99: {  	s4 =	simm.s32 $_scs_section_size  }
0x9a: {  	s5 =	simm.s32 $_size__tile_overlayer_lowered;
	s6 =	simm.s32 $_tile_overlayer_lowered  }
0x9b: {  	s22 =	simm.s32 $0x1BFF;
	s21 =	sshll.u32 s6, $0x1;
	s3 =	sadd.s32 s4, s19  }
0x9c: {  	s7 =	simm.s32 $0x0;
	s20 =	sshll.u32 s5, $0x1;
	s5 =	sadd.s32 s21, s3  }
0x9d: {  	[timem:s7], [sflag:s22] =	dma.local [hbm:s5], s20  }
0x9e: {  	_ =	swait.ge [sflag:s22], s20  }
0x9f: {  	s4 =	ssub.s32 $0x0, s20;
	[sflag:s22] =	ssyncset.done $0x0  }
0xa0: {  	[sflag:s22] =	ssyncadd.s32 s4;
	_ =	sdelay $0x1  }
0xa1: {  	s23 =	simm.s32 $0x1B8B  }
0xa2: {  	_ =	swait.ge [sflag:s23], $0x1  }
0xa3: {  	[sflag:s23] =	ssyncset.done $0x0  }
0xa4: {  	s25 =	simm.s32 $0x1B8E;
	s24 =	sld [smem:$0x3FFE];
	[sflag:s23] =	ssyncadd.s32 $0xFFFFFFFF  }
0xa5: {  	s26 =	simm.s32 $execute0_lowered;
	[smem:$0x3FD2] =	sst s25  }
0xa6: {  	s5 =	sshll.u32 s26, $0x1;
	_ =	strace $0x80000046;
	[dreg:$0x1] =	wrdreg $0xFFFFFFFF  }
0xa7: {  	s28 =	simm.s32 $_size_execute0_lowered;
	s3 =	sadd.s32 s3, s5;
	[dreg:$0x0] =	wrdreg $0x0  }
0xa8: {  	s5 =	sshll.u32 s28, $0x1;
	[dreg:$0x2] =	wrdreg s3  }
0xa9: {  	[dreg:$0x3] =	wrdreg s5  }
0xaa: {  	[dreg:$0x4] =	wrdreg $0xC0  }
0xab: {  	_ =	task [dreg:s7], $0x5FFFF  }
0xac: {  	[dreg:$0x1] =	wrdreg $0xFFFFFFFF  }
0xad: {  	[dreg:$0x0] =	wrdreg $0x60  }
0xae: {  	[dreg:$0x2] =	wrdreg s24  }
0xaf: {  	[dreg:$0x3] =	wrdreg s2  }
0xb0: {  	[dreg:$0x4] =	wrdreg $0x9  }
0xb1: {  	_ =	task.clear_ibuf [dreg:s7], $0x5FFFF;
	_ =	strace $0x90000046  }
0xb2: {  	s29 =	simm.s32 $0x9;
	_ =	strace $0x80000048  }
0xb3: {  	_ =	swait.ge [sflag:s29], $0x1  }
0xb4: {  	[sflag:s29] =	ssyncadd.s32 $0xFFFFFFFF  }
0xb5: {  	_ =	strace $0x90000048  }
0xb6: {  	_ =	sfence  }
0xb7: {  	s30 =	sld [smem:$0x0];
	_ =	sdelay $0x2  }
0xb8: {  	s31 =	sshll.u32 s1, $0xD;
	s1 =	sshrl.u32 s1, $0x2  }
0xb9: {  	s3 =	sand.u32 $0x4000, s31;
	s1 =	sadd.s32 s1, s30  }
0xba: {  	s0 =	sor.u32 s3, s0;
	s1 =	sshll.u32 s1, $0x11  }
0xbb: {  	s0 =	sor.u32 s1, s0  }
0xbc: {  	s0 =	sadd.s32 $0x8F2B, s0  }
0xbd: {  	[sflag:s0] =	ssyncadd.remote.s32 $0x1  }
0xbe: {  	_ =	sfence.sel $0xFFFF  }
0xbf: {  	[dreg:$0x0] =	wrdreg $0xFFFFFFFF;
	(pc) =	sbr.abs _section_cstart, $3  }
0xc0: {  	[dreg:$0x1] =	wrdreg $0xFFFFFFFF  }
0xc1: {  	_ =	task.clear_ibuf [dreg:s7], $0x2FFFF;
	_ =	strace $0x9FFFFFFF  }
0xc2: {  	(tm) =	ssettm $0x7FFFFFFF  }
0xc3: {  	_ =	shalt  }
tec
execute0_lowered:
.L_overlay_start_1:
0x0: {  	(tag) =	ssettag $0x1  }
0x1: {  	s1 =	stileid.u32  }
0x2: {  	p0 =	sgt.u32 s1, $0x5  }
.Ltmp0:
0x3: {  	_ = 	snop;
	(pc) =	sbr.rel @p0 .LBB2_7-.Ltmp0, $4  }
0x4: {  	s4 =	rddreg [dreg:$0x0]  }
0x5: {  	s6 =	rddreg [dreg:$0x1];
	s2 =	simm.s32 $0x0  }
0x6: {  	[smem:$0x7FF] =	sst s2  }
0x7: {  	s0 =	rddreg [dreg:$0x2];
	_ =	strace $0x80000047  }
0x8: {  	s3 =	srdreg.scid;
	s28 =	sshll.u32 s1, $0x1  }
0x9: {  	s29 =	sshrl.u32 s1, $0x2;
	v0 =	vimm.s32 $0xFFEDCBA9;
	v1 =	vimm.s32 $0x87654321;
	s10 =	smul.u32 $0x2800, s1;
	s5 =	sand.u32 $0x1, s3  }
0xa: {  	v2 =	vimm.s32 $0xEDCBA987;
	v3 =	vimm.s32 $0x65432100;
	s13 =	simm.s32 $0x0;
	s8 =	smul.u32 $0xFD400, s29;
	s7 =	sor.u32 s5, s28  }
0xb: {  	v0 =	vunpack.c.l.s4.s8 v0;
	s3 =	sadd.s32 $0x3800, s4;
	s4 =	sadd.s32 $0x7400, s4;
	v1 =	vunpack.c.l.s4.s8 v1;
	v2 =	vunpack.c.l.s4.s8 v2;
	s9 =	sshll.u32 s7, $0x7  }
0xc: {  	v3 =	vunpack.c.l.s4.s8 v3;
	s30 =	ssub.s32 $0x2, s5;
	s12 =	smul.u32 $0x1400, s5;
	s9 =	sand.u32 $0x380, s9  }
0xd: {  	s11 =	sshrl.u32 s30, $0x1;
	v0 =	vunpack.c.0.s8.s32 v0;
	v1 =	vunpack.c.0.s8.s32 v1;
	v2 =	vunpack.c.0.s8.s32 v2;
	s5 =	smul.u32 $0x1400, s7;
	s8 =	sor.u32 s8, s9  }
0xe: {  	v3 =	vunpack.c.0.s8.s32 v3;
	s31 =	ssub.s32 s30, s11;
	s11 =	simm.s32 $0x80;
	s8 =	sshrl.u32 s8, $0x3  }
0xf: {  	vm0 =	vcmask $0x3F3C;
	s7 =	smax.u32 s31, $0x1;
	s9 =	simm.s32 $0x500;
	v0 =	vcombine.low v1, v0;
	v2 =	vand.u32 $0xF, v2;
	s6 =	sadd.s32 s6, s8  }
0x10: {  	v1 =	vimm.f32 $1.000000000e+00;
	v2 =	vcombine.low v3, v2;
	v3 =	vlaneseq.u32;
	s8 =	sadd.s32 s12, s10;
	s10 =	simm.s32 $0x1;
	s12 =	simm.s32 $0x400  }
.LBB2_2:
0x11: {  	[tilespmem:s9], [sflag:$0x1] =	stream.linear.gather [hbm4b:s4+s13], $0x1FA80, $0x38;
	[tilespmem:$0x1FF80] =	vst v63  }
0x12: {  	_ =	swait.ge [sflag:s10], $0x1FA80  }
0x13: {  	[sflag:s10] =	ssyncset.done $0x0  }
0x14: {  	s14 =	smov.u32 s8;
	s15 =	simm.s32 $0x0;
	[sflag:s10] =	ssyncadd.s32 $0xFFFE0580  }
.LBB2_3:
0x15: {  	s16 =	smul.u32 $0x280, s15;
	_ =	sdelay $0x1  }
0x16: {  	s16 =	sadd.s32 s5, s16  }
0x17: {  	s16 =	sshrl.u32 s16, $0x2  }
0x18: {  	s16 =	sadd.s32 s3, s16  }
0x19: {  	[tilespmem:s13], [sflag:$0x1] =	stream.linear.gather [hbm4b:s16+s13], $0x500, $0x38;
	[tilespmem:$0x1FF80] =	vst v63  }
0x1a: {  	_ =	swait.ge [sflag:s10], $0x500  }
0x1b: {  	s30 =	sand.u32 $0x70, s13;
	s17 =	sand.u32 $0x700, s13;
	[sflag:s10] =	ssyncset.done $0x0  }
0x1c: {  	s16 =	sor.u32 s30, s17;
	[sflag:s10] =	ssyncadd.s32 $0xFFFFFB00  }
0x1d: {  	v4 =	vld [tilespmem:s16+$0x80];
	_ =	sdelay $0x1  }
0x1e: {  	v5 =	vld [tilespmem:s16+$0x0];
	_ =	sdelay $0x2  }
0x1f: {  	v4 =	vmul.u32 $0x168, v4  }
0x20: {  	s31 =	sadd.s32 $0x0, s14  }
0x21: {  	p0 =	slt.u32 s31, $0xEA60;
	v4 =	vadd.s32 v5, v4  }
0x22: {  	v5 =	vpsel !p0, $0x0, v1;
	v4 =	vxor.u32 $0x80000000, v4  }
0x23: {  	(xrf1) =	vsort.ascd.msk.u32 $0xffff, v4, v5;
	_ =	sdelay $0xd  }
0x24: {  	v4, v5, _ =	vpop (xrf1)  }
0x25: {  	(xrf2) =	vadd.scan.msk.f32 $0xffff, v5;
	_ =	sdelay $0x4  }
0x26: {  	v4 =	vxor.u32 $0x80000000, v4  }
0x27: {  	v5 =	vperm.xlane v4, v0;
	_ =	sdelay $0x2  }
0x28: {  	vm1 =	vne.s32 v4, v5  }
0x29: {  	vm2 =	vmor vm1, vm0;
	v5, _, _ =	vpop (xrf2)  }
0x2a: {  	v6 =	vnsel vm2, $0x0, v5  }
0x2b: {  	(xrf0) =	vmax.scan.msk.f32 $0xffff, v6;
	_ =	sdelay $0x5  }
0x2c: {  	v6, _, _ =	vpop (xrf0)  }
0x2d: {  	v6 =	vperm.xlane v6, v2  }
0x2e: {  	vm1 =	veq.s32 v3, $0x0  }
0x2f: {  	v6 =	vsel vm1, $0x0, v6  }
0x30: {  	s17 =	simm.s32 $0x20;
	s16 =	simm.s32 $0x10;
	v5 =	vsub.f32 v5, v6  }
0x31: {  	s18 =	simm.s32 $0x20;
	s20 =	sand.u32 $0x700, s17;
	s19 =	sand.u32 $0x70, s16  }
.LBB2_4:
0x32: {  	p0 =	sne.s32 s18, $0x270;
	s19 =	sor.u32 s19, s20;
	[tilespmem:v4+s9+$0x0] =	vst.idx.add.f32.msk vm2, v5  }
0x33: {  	v4 =	vld [tilespmem:s19+$0x80];
	_ =	sdelay $0x1  }
0x34: {  	v5 =	vld [tilespmem:s19+$0x0];
	_ =	sdelay $0x2  }
0x35: {  	v4 =	vmul.u32 $0x168, v4  }
0x36: {  	s19 =	sadd.s32 s16, s14;
	s16 =	smov.u32 s18  }
0x37: {  	p1 =	slt.u32 s19, $0xEA60;
	v4 =	vadd.s32 v5, v4  }
0x38: {  	v5 =	vpsel !p1, $0x0, v1;
	v4 =	vxor.u32 $0x80000000, v4  }
0x39: {  	(xrf1) =	vsort.ascd.msk.u32 $0xffff, v4, v5;
	_ =	sdelay $0xd  }
0x3a: {  	v4, v5, _ =	vpop (xrf1)  }
0x3b: {  	(xrf2) =	vadd.scan.msk.f32 $0xffff, v5;
	_ =	sdelay $0x5  }
0x3c: {  	v4 =	vxor.u32 $0x80000000, v4  }
0x3d: {  	v6 =	vperm.xlane v4, v0;
	_ =	sdelay $0x1  }
0x3e: {  	vm2 =	vne.s32 v4, v6  }
0x3f: {  	vm2 =	vmor vm2, vm0;
	v5, _, _ =	vpop (xrf2)  }
0x40: {  	v6 =	vnsel vm2, $0x0, v5  }
0x41: {  	(xrf0) =	vmax.scan.msk.f32 $0xffff, v6;
	_ =	sdelay $0x5  }
0x42: {  	v6, _, _ =	vpop (xrf0)  }
.Ltmp1:
0x43: {  	v6 =	vperm.xlane v6, v2;
	(pc) =	sbr.rel @p0 .LBB2_4-.Ltmp1, $4  }
0x44: {  	_ = 	snop  }
0x45: {  	v6 =	vsel vm1, $0x0, v6  }
0x46: {  	s17 =	sadd.s32 $0x20, s17;
	v5 =	vsub.f32 v5, v6  }
0x47: {  	s20 =	sand.u32 $0x700, s17;
	s18 =	sadd.s32 $0x10, s18;
	s19 =	sand.u32 $0x70, s16  }
0x48: {  	_ =	sdelay $0x4  }
0x49: {  	s17 =	sor.u32 s19, s20;
	[tilespmem:v4+s9+$0x0] =	vst.idx.add.f32.msk vm2, v5  }
0x4a: {  	v4 =	vld [tilespmem:s17+$0x80];
	_ =	sdelay $0x1  }
0x4b: {  	v5 =	vld [tilespmem:s17+$0x0];
	_ =	sdelay $0x2  }
0x4c: {  	v4 =	vmul.u32 $0x168, v4  }
0x4d: {  	s16 =	sadd.s32 s16, s14  }
0x4e: {  	p0 =	slt.u32 s16, $0xEA60;
	v4 =	vadd.s32 v5, v4  }
0x4f: {  	v5 =	vpsel !p0, $0x0, v1;
	v4 =	vxor.u32 $0x80000000, v4  }
0x50: {  	(xrf1) =	vsort.ascd.msk.u32 $0xffff, v4, v5;
	_ =	sdelay $0xd  }
0x51: {  	v4, v5, _ =	vpop (xrf1)  }
0x52: {  	(xrf2) =	vadd.scan.msk.f32 $0xffff, v5;
	_ =	sdelay $0x4  }
0x53: {  	v4 =	vxor.u32 $0x80000000, v4  }
0x54: {  	v5 =	vperm.xlane v4, v0;
	_ =	sdelay $0x2  }
0x55: {  	vm1 =	vne.s32 v4, v5  }
0x56: {  	vm1 =	vmor vm1, vm0;
	v5, _, _ =	vpop (xrf2)  }
0x57: {  	v6 =	vnsel vm1, $0x0, v5  }
0x58: {  	(xrf0) =	vmax.scan.msk.f32 $0xffff, v6;
	_ =	sdelay $0x5  }
0x59: {  	s15 =	sadd.s32 $0x1, s15;
	v6, _, _ =	vpop (xrf0)  }
0x5a: {  	p0 =	sne.s32 s15, $0x8;
	v6 =	vperm.xlane v6, v2  }
.Ltmp2:
0x5b: {  	vm2 =	veq.s32 v3, $0x0;
	(pc) =	sbr.rel @p0 .LBB2_3-.Ltmp2, $3  }
0x5c: {  	v6 =	vsel vm2, $0x0, v6  }
0x5d: {  	v5 =	vsub.f32 v5, v6;
	_ =	sdelay $0x1  }
0x5e: {  	s14 =	sadd.s32 $0x280, s14;
	[tilespmem:v4+s9+$0x0] =	vst.idx.add.f32.msk vm1, v5  }
0x5f: {  	s2 =	sadd.s32 $0x1, s2  }
0x60: {  	p0 =	sne.s32 s2, s7  }
.Ltmp3:
0x61: {  	_ = 	snop;
	(pc) =	sbr.rel @p0 .LBB2_2-.Ltmp3, $4  }
0x62: {  	[hbm4b:s6+s11] =	stream.strided.scatter [tilespmem:s9], [sflag:$0x1], $0x1FA80, s12, s11, $0x38;
	[tilespmem:$0x1FF80] =	vst v63  }
0x63: {  	_ =	swait.ge [sflag:s10], $0x1FA80  }
0x64: {  	[sflag:s10] =	ssyncset.done $0x0  }
0x65: {  	[sflag:s10] =	ssyncadd.s32 $0xFFFE0580  }
.LBB2_7:
0x66: {  	_ =	sfence.sel $0x180000  }
0x67: {  	[bflag:$0x0] =	sbarrier.arrive $0xFFFF  }
0x68: {  	p0 =	sne.s32 s1, $0x0;
	_ =	strace $0x90000047  }
0x69: {  	s0 =	sadd.s32 @!p0 $0x100000, s0;
	[bflag:$0x2] =	sbarrier.arrive $0xFFFF  }
0x6a: {  	[sflag:s0] =	ssyncadd.tile.s32 @!p0 $0x1;
	_ =	shalt  }
.Lfunc_end2:
_tile_overlayer_lowered:
.L_overlay_start_2:
0x6b: {  	(tag) =	ssettag $0x2  }
0x6c: {  	s0 =	rddreg [dreg:$0x0];
	s2 =	stileid.u32  }
0x6d: {  	s1 =	rddreg [dreg:$0x1];
	p0 =	sne.s32 s2, $0x0  }
0x6e: {  	s3 =	rddreg [dreg:$0x2];
	[bflag:$0x3] =	sbarrier.arrive $0xFFFF;
	s2 =	simm.s32 @!p0 $0x1C01  }
0x6f: {  	[timem:s3], [sflag:s2] =	dma.local @!p0 [hbm:s0], s1  }
0x70: {  	s0 =	simm.s32 @!p0 $0x1  }
0x71: {  	_ =	swait.ge @!p0 [sflag:s0], s1  }
0x72: {  	s1 =	ssub.s32 @!p0 $0x0, s1;
	[sflag:s0] =	ssyncset.done @!p0 $0x0  }
0x73: {  	[sflag:s0] =	ssyncadd.s32 @!p0 s1  }
0x74: {  	[bflag:$0x3] =	sbarrier.arrive $0xFFFF  }
0x75: {  	_ =	shalt  }

</sc_bundles>
